<compile_context>
chip_gen: v7x
topology: tpu7x:2x2x1
jax: 0.10.2.dev20260603
libtpu: 0.0.44.dev20260713+nightly
codegen_flags: <defaults>
</compile_context>

<pallas_src>
import functools
import jax
import jax.numpy as jnp
from jax import lax
from jax.experimental import pallas as pl
from jax.experimental.pallas import tpu as pltpu, tpu_sc as plsc

N = 10000
E = 320000
DIN = 128
NC = 2
NS = 16
NW = NC * NS
CHW = 128
NCH = 79
EPT = NCH * CHW
EPAD = NW * EPT
NPAD = 10112
SLICE = NPAD // NS

_mesh = plsc.VectorSubcoreMesh(core_axis_name="c", subcore_axis_name="s")


@functools.partial(
    pl.kernel,
    out_type=jax.ShapeDtypeStruct((NC * NPAD,), jnp.float32),
    mesh=_mesh,
    scratch_types=[
        pltpu.VMEM((NCH, CHW), jnp.int32),
        pltpu.VMEM((CHW,), jnp.float32),
        pltpu.VMEM((SLICE,), jnp.float32),
        pltpu.VMEM_SHARED((NPAD,), jnp.float32),
    ],
)
def _sc_degree(col_hbm, ones_hbm, zeros_hbm, cnt_hbm, col_v, ones_v, buf_v,
               shared):
    c = lax.axis_index("c")
    s = lax.axis_index("s")
    wid = c * NS + s
    pltpu.sync_copy(col_hbm.at[wid], col_v)
    pltpu.sync_copy(ones_hbm, ones_v)
    pltpu.sync_copy(zeros_hbm.at[pl.ds(0, SLICE)], buf_v)
    pltpu.sync_copy(buf_v, shared.at[pl.ds(s * SLICE, SLICE)])
    plsc.subcore_barrier()

    def step(j, carry):
        pltpu.sync_copy(ones_v, shared.at[col_v.at[j]], add=True)
        return carry

    lax.fori_loop(0, NCH, step, 0)
    plsc.subcore_barrier()
    pltpu.sync_copy(shared.at[pl.ds(s * SLICE, SLICE)], buf_v)
    pltpu.sync_copy(buf_v, cnt_hbm.at[pl.ds(c * NPAD + s * SLICE, SLICE)])


@functools.partial(
    pl.kernel,
    out_type=jax.ShapeDtypeStruct((NC * 3 * NPAD,), jnp.float32),
    mesh=_mesh,
    scratch_types=[
        pltpu.VMEM((NCH, CHW), jnp.int32),
        pltpu.VMEM((NCH, CHW), jnp.int32),
        pltpu.VMEM((CHW,), jnp.float32),
        pltpu.VMEM((CHW,), jnp.float32),
        pltpu.VMEM((CHW,), jnp.float32),
        pltpu.VMEM((SLICE,), jnp.float32),
        pltpu.VMEM_SHARED((NPAD,), jnp.float32),
        pltpu.VMEM_SHARED((NPAD,), jnp.float32),
        pltpu.VMEM_SHARED((NPAD,), jnp.float32),
        pltpu.SemaphoreType.DMA,
        pltpu.SemaphoreType.DMA,
        pltpu.SemaphoreType.DMA,
    ],
)
def _sc_scatter(row_hbm, col_hbm, y0_hbm, y1_hbm, y2_hbm, zeros_hbm, acc_hbm,
                row_v, col_v, m0, m1, m2, buf_v, sh0, sh1, sh2,
                sem0, sem1, sem2):
    c = lax.axis_index("c")
    s = lax.axis_index("s")
    wid = c * NS + s
    pltpu.sync_copy(row_hbm.at[wid], row_v)
    pltpu.sync_copy(col_hbm.at[wid], col_v)
    pltpu.sync_copy(zeros_hbm.at[pl.ds(0, SLICE)], buf_v)
    for sh in (sh0, sh1, sh2):
        pltpu.sync_copy(buf_v, sh.at[pl.ds(s * SLICE, SLICE)])
    plsc.subcore_barrier()

    def step(j, carry):
        idx = row_v.at[j]
        d0 = pltpu.async_copy(y0_hbm.at[idx], m0, sem0)
        d1 = pltpu.async_copy(y1_hbm.at[idx], m1, sem1)
        d2 = pltpu.async_copy(y2_hbm.at[idx], m2, sem2)
        d0.wait()
        d1.wait()
        d2.wait()
        cdx = col_v.at[j]
        pltpu.sync_copy(m0, sh0.at[cdx], add=True)
        pltpu.sync_copy(m1, sh1.at[cdx], add=True)
        pltpu.sync_copy(m2, sh2.at[cdx], add=True)
        return carry

    lax.fori_loop(0, NCH, step, 0)
    plsc.subcore_barrier()
    for d, sh in enumerate((sh0, sh1, sh2)):
        pltpu.sync_copy(sh.at[pl.ds(s * SLICE, SLICE)], buf_v)
        pltpu.sync_copy(
            buf_v, acc_hbm.at[pl.ds((c * 3 + d) * NPAD + s * SLICE, SLICE)])


def _tc_prep_body(cnt_ref, x_ref, w_ref, y_ref, dinv_ref):
    cnt = cnt_ref[...]
    deg = cnt[0:1] + cnt[1:2] + 1.0
    dinv = lax.rsqrt(deg)
    dinv_ref[...] = dinv
    xw_t = lax.dot_general(w_ref[...], x_ref[...],
                           dimension_numbers=(((0,), (1,)), ((), ())),
                           preferred_element_type=jnp.float32)
    y = xw_t * dinv[:, :N]
    y_ref[...] = jnp.concatenate(
        [y, jnp.zeros((3, NPAD - N), jnp.float32)], axis=1)


_tc_prep = pl.pallas_call(
    _tc_prep_body,
    out_shape=[
        jax.ShapeDtypeStruct((3, NPAD), jnp.float32),
        jax.ShapeDtypeStruct((1, NPAD), jnp.float32),
    ],
)


def _tc_final_body(acc_ref, y_ref, dinv_ref, bg_ref, wlt_ref, bl_ref,
                   ht_ref, zt_ref):
    acc = acc_ref[...]
    y = y_ref[...]
    dinv = dinv_ref[...]
    a = acc[0:3] + acc[3:6]
    agg = dinv * (a + y)
    h_t = jnp.maximum(agg + bg_ref[...], 0.0)
    ht_ref[...] = h_t
    wlt = wlt_ref[...]
    z_t = (wlt[:, 0:1] * h_t[0:1] + wlt[:, 1:2] * h_t[1:2]
           + wlt[:, 2:3] * h_t[2:3] + bl_ref[...])
    zt_ref[...] = z_t


_tc_final = pl.pallas_call(
    _tc_final_body,
    out_shape=[
        jax.ShapeDtypeStruct((3, NPAD), jnp.float32),
        jax.ShapeDtypeStruct((4, NPAD), jnp.float32),
    ],
)


def kernel(x, edges, W_gcn, b_gcn, W_lin, b_lin):
    pad = EPAD - E
    rowp = jnp.concatenate([edges[0], jnp.zeros((pad,), jnp.int32)])
    colp = jnp.concatenate([edges[1], jnp.full((pad,), N, jnp.int32)])
    rowp = rowp.reshape(NW, NCH, CHW)
    colp = colp.reshape(NW, NCH, CHW)

    ones128 = jnp.ones((CHW,), jnp.float32)
    zeros1 = jnp.zeros((NPAD,), jnp.float32)

    cnt = _sc_degree(colp, ones128, zeros1)
    y_all, dinv = _tc_prep(cnt.reshape(NC, NPAD), x, W_gcn)
    acc = _sc_scatter(rowp, colp, y_all[0], y_all[1], y_all[2],
                      zeros1)

    h_t, z_t = _tc_final(acc.reshape(NC * 3, NPAD), y_all, dinv,
                         b_gcn.reshape(3, 1), W_lin.T, b_lin.reshape(4, 1))
    return (h_t[:, :N].T, z_t[:, :N].T)

# --- scband reference (transcript-rebuilt; emitter-appended) ---
"""Pipeline reference for scband-gcn-45062796870031 (READ-ONLY COPY).

The authoritative reference and input builder live on the scoring server;
editing this copy changes nothing except your own understanding.
"""

import jax, jax.numpy as jnp
import numpy as np

N = 10000
E = 320000
DIN = 128
DH = 3
DOUT = 4

def setup_inputs(seed: int = 0) -> dict:
    key = jax.random.key(seed)
    k1, k2, k3, k4, k5, k6 = jax.random.split(key, 6)
    x = jax.random.normal(k1, (N, DIN), dtype=jnp.float32)
    edges = jax.random.randint(k2, (2, E), 0, N, dtype=jnp.int32)
    # GCNConv(128, 3) params: weight [in, out] (math-equivalent to PyG lin.weight.T), bias [out]
    W_gcn = jax.random.normal(k3, (DIN, DH), dtype=jnp.float32) * (1.0 / np.sqrt(DIN))
    b_gcn = jnp.zeros((DH,), dtype=jnp.float32)
    # Linear(3, 4)
    W_lin = jax.random.normal(k4, (DH, DOUT), dtype=jnp.float32) * (1.0 / np.sqrt(DH))
    b_lin = jax.random.normal(k5, (DOUT,), dtype=jnp.float32) * 0.01
    return {"x": x, "edges": edges, "W_gcn": W_gcn, "b_gcn": b_gcn, "W_lin": W_lin, "b_lin": b_lin}

def reference(x, edges, W_gcn, b_gcn, W_lin, b_lin):
    n = x.shape[0]
    # GCNConv: add self-loops, symmetric normalization (PyG defaults: improved=False, add_self_loops=True)
    loop = jnp.arange(n, dtype=edges.dtype)
    row = jnp.concatenate([edges[0], loop])
    col = jnp.concatenate([edges[1], loop])
    ew = jnp.ones(row.shape[0], dtype=x.dtype)
    deg = jnp.zeros(n, dtype=x.dtype).at[col].add(ew)
    dinv = jnp.where(deg > 0, deg ** -0.5, 0.0)
    norm = dinv[row] * dinv[col]
    xw = x @ W_gcn
    msg = xw[row] * norm[:, None]
    agg = jnp.zeros((n, xw.shape[1]), dtype=x.dtype).at[col].add(msg)
    h_pre = agg + b_gcn
    h = jax.nn.relu(h_pre)
    z = h @ W_lin + b_lin
    return (h, z)

if __name__ == "__main__":
    import jax
    _d = setup_inputs()
    print(jax.jit(kernel)(*tuple(_d.values())))

</pallas_src>

<mosaic_0001>
#map = affine_map<(d0, d1) -> (0, 0, 0)>
#map1 = affine_map<(d0, d1) -> (0)>
module attributes {stable_mosaic.version = 14 : i64} {
  func.func @_sc_degree(%arg0: i32, %arg1: i32, %arg2: memref<32x79x128xi32, #tpu.memory_space<hbm>>, %arg3: memref<128xf32, #tpu.memory_space<hbm>>, %arg4: memref<10112xf32, #tpu.memory_space<hbm>>, %arg5: memref<20224xf32, #tpu.memory_space<hbm>>, %arg6: memref<79x128xi32, #tpu.memory_space<vmem>>, %arg7: memref<128xf32, #tpu.memory_space<vmem>>, %arg8: memref<632xf32, #tpu.memory_space<vmem>>, %arg9: memref<10112xf32, #tpu.memory_space<vmem_shared>>) attributes {dimension_semantics = [#tpu.dimension_semantics<core_parallel>, #tpu.dimension_semantics<subcore_parallel>], iteration_bounds = array<i64: 2, 16>, scalar_prefetch = 0 : i64, scratch_operands = 4 : i64, tpu.core_type = #tpu.core_type<sc_vector_subcore>, window_params = [{transform_indices = #map}, {transform_indices = #map1}, {transform_indices = #map1}, {transform_indices = #map1}]} {
    %mul3A = arith.constant 16 : i32
    %mul3A_0 = arith.muli %arg0, %mul3A : i32
    %add3A = arith.addi %mul3A_0, %arg1 : i32
    "tpu.region"() ({
      %run_scoped3A = tpu.sem_alloc : memref<!tpu.dma_semaphore, #tpu.memory_space<semaphore_mem>>
      %dma_start3A = arith.constant 0 : i32
      %dma_start3A_16 = arith.constant 0 : i32
      %dma_start3A_17 = tpu.memref_slice %arg2[%add3A, %dma_start3A, %dma_start3A_16] : memref<32x79x128xi32, #tpu.memory_space<hbm>> -> memref<1x79x128xi32, #tpu.memory_space<hbm>>
      %dma_start3A_18 = tpu.memref_squeeze %dma_start3A_17 : memref<1x79x128xi32, #tpu.memory_space<hbm>> -> memref<79x128xi32, #tpu.memory_space<hbm>>
      %dma_start3A_19 = arith.constant 0 : i32
      %dma_start3A_20 = arith.constant 0 : i32
      %dma_start3A_21 = tpu.memref_slice %arg2[%add3A, %dma_start3A_19, %dma_start3A_20] : memref<32x79x128xi32, #tpu.memory_space<hbm>> -> memref<1x79x128xi32, #tpu.memory_space<hbm>>
      %dma_start3A_22 = tpu.memref_squeeze %dma_start3A_21 : memref<1x79x128xi32, #tpu.memory_space<hbm>> -> memref<79x128xi32, #tpu.memory_space<hbm>>
      tpu.enqueue_dma source(%dma_start3A_22 : memref<79x128xi32, #tpu.memory_space<hbm>>) target(%arg6 : memref<79x128xi32, #tpu.memory_space<vmem>>) target_semaphore(%run_scoped3A : memref<!tpu.dma_semaphore, #tpu.memory_space<semaphore_mem>>)
      %dma_wait3A = arith.constant 0 : i32
      %dma_wait3A_23 = arith.constant 0 : i32
      %dma_wait3A_24 = tpu.memref_slice %arg2[%add3A, %dma_wait3A, %dma_wait3A_23] : memref<32x79x128xi32, #tpu.memory_space<hbm>> -> memref<1x79x128xi32, #tpu.memory_space<hbm>>
      %dma_wait3A_25 = tpu.memref_squeeze %dma_wait3A_24 : memref<1x79x128xi32, #tpu.memory_space<hbm>> -> memref<79x128xi32, #tpu.memory_space<hbm>>
      %dma_wait3A_26 = arith.constant 0 : i32
      %dma_wait3A_27 = arith.constant 0 : i32
      %dma_wait3A_28 = tpu.memref_slice %arg2[%add3A, %dma_wait3A_26, %dma_wait3A_27] : memref<32x79x128xi32, #tpu.memory_space<hbm>> -> memref<1x79x128xi32, #tpu.memory_space<hbm>>
      %dma_wait3A_29 = tpu.memref_squeeze %dma_wait3A_28 : memref<1x79x128xi32, #tpu.memory_space<hbm>> -> memref<79x128xi32, #tpu.memory_space<hbm>>
      tpu.wait_dma2 semaphore(%run_scoped3A : memref<!tpu.dma_semaphore, #tpu.memory_space<semaphore_mem>>) src(%dma_wait3A_29 : memref<79x128xi32, #tpu.memory_space<hbm>>) dst(%arg6 : memref<79x128xi32, #tpu.memory_space<vmem>>)
      tpu.yield
    }) : () -> ()
    "tpu.region"() ({
      %run_scoped3A = tpu.sem_alloc : memref<!tpu.dma_semaphore, #tpu.memory_space<semaphore_mem>>
      tpu.enqueue_dma source(%arg3 : memref<128xf32, #tpu.memory_space<hbm>>) target(%arg7 : memref<128xf32, #tpu.memory_space<vmem>>) target_semaphore(%run_scoped3A : memref<!tpu.dma_semaphore, #tpu.memory_space<semaphore_mem>>)
      tpu.wait_dma2 semaphore(%run_scoped3A : memref<!tpu.dma_semaphore, #tpu.memory_space<semaphore_mem>>) src(%arg3 : memref<128xf32, #tpu.memory_space<hbm>>) dst(%arg7 : memref<128xf32, #tpu.memory_space<vmem>>)
      tpu.yield
    }) : () -> ()
    "tpu.region"() ({
      %run_scoped3A = tpu.sem_alloc : memref<!tpu.dma_semaphore, #tpu.memory_space<semaphore_mem>>
      %dma_start3A = arith.constant 0 : i32
      %dma_start3A_16 = tpu.memref_slice %arg4[%dma_start3A] : memref<10112xf32, #tpu.memory_space<hbm>> -> memref<632xf32, #tpu.memory_space<hbm>>
      %dma_start3A_17 = arith.constant 0 : i32
      %dma_start3A_18 = tpu.memref_slice %arg4[%dma_start3A_17] : memref<10112xf32, #tpu.memory_space<hbm>> -> memref<632xf32, #tpu.memory_space<hbm>>
      tpu.enqueue_dma source(%dma_start3A_18 : memref<632xf32, #tpu.memory_space<hbm>>) target(%arg8 : memref<632xf32, #tpu.memory_space<vmem>>) target_semaphore(%run_scoped3A : memref<!tpu.dma_semaphore, #tpu.memory_space<semaphore_mem>>)
      %dma_wait3A = arith.constant 0 : i32
      %dma_wait3A_19 = tpu.memref_slice %arg4[%dma_wait3A] : memref<10112xf32, #tpu.memory_space<hbm>> -> memref<632xf32, #tpu.memory_space<hbm>>
      %dma_wait3A_20 = arith.constant 0 : i32
      %dma_wait3A_21 = tpu.memref_slice %arg4[%dma_wait3A_20] : memref<10112xf32, #tpu.memory_space<hbm>> -> memref<632xf32, #tpu.memory_space<hbm>>
      tpu.wait_dma2 semaphore(%run_scoped3A : memref<!tpu.dma_semaphore, #tpu.memory_space<semaphore_mem>>) src(%dma_wait3A_21 : memref<632xf32, #tpu.memory_space<hbm>>) dst(%arg8 : memref<632xf32, #tpu.memory_space<vmem>>)
      tpu.yield
    }) : () -> ()
    %mul3A_1 = arith.constant 632 : i32
    %mul3A_2 = arith.muli %arg1, %mul3A_1 : i32
    "tpu.region"() ({
      %run_scoped3A = tpu.sem_alloc : memref<!tpu.dma_semaphore, #tpu.memory_space<semaphore_mem>>
      %dma_start3A = tpu.memref_slice %arg9[%mul3A_2] : memref<10112xf32, #tpu.memory_space<vmem_shared>> -> memref<632xf32, #tpu.memory_space<vmem_shared>>
      %dma_start3A_16 = tpu.memref_slice %arg9[%mul3A_2] : memref<10112xf32, #tpu.memory_space<vmem_shared>> -> memref<632xf32, #tpu.memory_space<vmem_shared>>
      tpu.enqueue_dma source(%arg8 : memref<632xf32, #tpu.memory_space<vmem>>) target(%dma_start3A_16 : memref<632xf32, #tpu.memory_space<vmem_shared>>) target_semaphore(%run_scoped3A : memref<!tpu.dma_semaphore, #tpu.memory_space<semaphore_mem>>)
      %dma_wait3A = tpu.memref_slice %arg9[%mul3A_2] : memref<10112xf32, #tpu.memory_space<vmem_shared>> -> memref<632xf32, #tpu.memory_space<vmem_shared>>
      %dma_wait3A_17 = tpu.memref_slice %arg9[%mul3A_2] : memref<10112xf32, #tpu.memory_space<vmem_shared>> -> memref<632xf32, #tpu.memory_space<vmem_shared>>
      tpu.wait_dma2 semaphore(%run_scoped3A : memref<!tpu.dma_semaphore, #tpu.memory_space<semaphore_mem>>) src(%arg8 : memref<632xf32, #tpu.memory_space<vmem>>) dst(%dma_wait3A_17 : memref<632xf32, #tpu.memory_space<vmem_shared>>)
      tpu.yield
    }) : () -> ()
    %barrier3A = arith.constant 0 : index
    tpu.barrier barrier_id(%barrier3A)
    %scan3A = arith.constant 0 : i32
    %scan3A_3 = arith.constant 0 : i32
    %scan3A_4 = arith.constant 79 : i32
    %scan3A_5 = arith.addi %scan3A_3, %scan3A_4 : i32
    %scan3A_6 = arith.constant 1 : i32
    scf.for %scan3A_16 = %scan3A_3 to %scan3A_5 step %scan3A_6  : i32 {
      "tpu.region"() ({
        %run_scoped3A = tpu.sem_alloc : memref<!tpu.dma_semaphore, #tpu.memory_space<semaphore_mem>>
        %dma_start3A = arith.constant 0 : i32
        %dma_start3A_17 = tpu.memref_slice %arg6[%scan3A_16, %dma_start3A] : memref<79x128xi32, #tpu.memory_space<vmem>> -> memref<1x128xi32, #tpu.memory_space<vmem>>
        %dma_start3A_18 = tpu.memref_squeeze %dma_start3A_17 : memref<1x128xi32, #tpu.memory_space<vmem>> -> memref<128xi32, #tpu.memory_space<vmem>>
        %dma_start3A_19 = arith.constant 0 : i32
        %dma_start3A_20 = tpu.memref_slice %arg9[%dma_start3A_19] : memref<10112xf32, #tpu.memory_space<vmem_shared>> -> memref<10112xf32, #tpu.memory_space<vmem_shared>>
        tpu.enqueue_indirect_dma source(%arg7 : memref<128xf32, #tpu.memory_space<vmem>>) target(%dma_start3A_20 : memref<10112xf32, #tpu.memory_space<vmem_shared>>) offsets(%dma_start3A_18 : memref<128xi32, #tpu.memory_space<vmem>>) semaphore(%run_scoped3A : memref<!tpu.dma_semaphore, #tpu.memory_space<semaphore_mem>>) {add = true}
        %dma_wait3A = arith.constant 0 : i32
        %dma_wait3A_21 = tpu.memref_slice %arg6[%scan3A_16, %dma_wait3A] : memref<79x128xi32, #tpu.memory_space<vmem>> -> memref<1x128xi32, #tpu.memory_space<vmem>>
        %dma_wait3A_22 = tpu.memref_squeeze %dma_wait3A_21 : memref<1x128xi32, #tpu.memory_space<vmem>> -> memref<128xi32, #tpu.memory_space<vmem>>
        %dma_wait3A_23 = arith.constant 0 : i32
        %dma_wait3A_24 = tpu.memref_slice %arg9[%dma_wait3A_23] : memref<10112xf32, #tpu.memory_space<vmem_shared>> -> memref<10112xf32, #tpu.memory_space<vmem_shared>>
        tpu.wait_indirect_dma semaphore(%run_scoped3A : memref<!tpu.dma_semaphore, #tpu.memory_space<semaphore_mem>>) src(%arg7 : memref<128xf32, #tpu.memory_space<vmem>>) dst(%dma_wait3A_24 : memref<10112xf32, #tpu.memory_space<vmem_shared>>)
        tpu.yield
      }) : () -> ()
    }
    %scan3A_7 = arith.constant 79 : i32
    %barrier3A_8 = arith.constant 0 : index
    tpu.barrier barrier_id(%barrier3A_8)
    %mul3A_9 = arith.constant 632 : i32
    %mul3A_10 = arith.muli %arg1, %mul3A_9 : i32
    "tpu.region"() ({
      %run_scoped3A = tpu.sem_alloc : memref<!tpu.dma_semaphore, #tpu.memory_space<semaphore_mem>>
      %dma_start3A = tpu.memref_slice %arg9[%mul3A_10] : memref<10112xf32, #tpu.memory_space<vmem_shared>> -> memref<632xf32, #tpu.memory_space<vmem_shared>>
      %dma_start3A_16 = tpu.memref_slice %arg9[%mul3A_10] : memref<10112xf32, #tpu.memory_space<vmem_shared>> -> memref<632xf32, #tpu.memory_space<vmem_shared>>
      tpu.enqueue_dma source(%dma_start3A_16 : memref<632xf32, #tpu.memory_space<vmem_shared>>) target(%arg8 : memref<632xf32, #tpu.memory_space<vmem>>) target_semaphore(%run_scoped3A : memref<!tpu.dma_semaphore, #tpu.memory_space<semaphore_mem>>)
      %dma_wait3A = tpu.memref_slice %arg9[%mul3A_10] : memref<10112xf32, #tpu.memory_space<vmem_shared>> -> memref<632xf32, #tpu.memory_space<vmem_shared>>
      %dma_wait3A_17 = tpu.memref_slice %arg9[%mul3A_10] : memref<10112xf32, #tpu.memory_space<vmem_shared>> -> memref<632xf32, #tpu.memory_space<vmem_shared>>
      tpu.wait_dma2 semaphore(%run_scoped3A : memref<!tpu.dma_semaphore, #tpu.memory_space<semaphore_mem>>) src(%dma_wait3A_17 : memref<632xf32, #tpu.memory_space<vmem_shared>>) dst(%arg8 : memref<632xf32, #tpu.memory_space<vmem>>)
      tpu.yield
    }) : () -> ()
    %mul3A_11 = arith.constant 10112 : i32
    %mul3A_12 = arith.muli %arg0, %mul3A_11 : i32
    %mul3A_13 = arith.constant 632 : i32
    %mul3A_14 = arith.muli %arg1, %mul3A_13 : i32
    %add3A_15 = arith.addi %mul3A_12, %mul3A_14 : i32
    "tpu.region"() ({
      %run_scoped3A = tpu.sem_alloc : memref<!tpu.dma_semaphore, #tpu.memory_space<semaphore_mem>>
      %dma_start3A = tpu.memref_slice %arg5[%add3A_15] : memref<20224xf32, #tpu.memory_space<hbm>> -> memref<632xf32, #tpu.memory_space<hbm>>
      %dma_start3A_16 = tpu.memref_slice %arg5[%add3A_15] : memref<20224xf32, #tpu.memory_space<hbm>> -> memref<632xf32, #tpu.memory_space<hbm>>
      tpu.enqueue_dma source(%arg8 : memref<632xf32, #tpu.memory_space<vmem>>) target(%dma_start3A_16 : memref<632xf32, #tpu.memory_space<hbm>>) target_semaphore(%run_scoped3A : memref<!tpu.dma_semaphore, #tpu.memory_space<semaphore_mem>>)
      %dma_wait3A = tpu.memref_slice %arg5[%add3A_15] : memref<20224xf32, #tpu.memory_space<hbm>> -> memref<632xf32, #tpu.memory_space<hbm>>
      %dma_wait3A_17 = tpu.memref_slice %arg5[%add3A_15] : memref<20224xf32, #tpu.memory_space<hbm>> -> memref<632xf32, #tpu.memory_space<hbm>>
      tpu.wait_dma2 semaphore(%run_scoped3A : memref<!tpu.dma_semaphore, #tpu.memory_space<semaphore_mem>>) src(%arg8 : memref<632xf32, #tpu.memory_space<vmem>>) dst(%dma_wait3A_17 : memref<632xf32, #tpu.memory_space<hbm>>)
      tpu.yield
    }) : () -> ()
    return
  }
}

#map = affine_map<(d0, d1) -> (0, 0, 0)>
#map1 = affine_map<(d0, d1) -> (0)>
module attributes {stable_mosaic.version = 14 : i64} {
  func.func @_sc_scatter(%arg0: i32, %arg1: i32, %arg2: memref<32x79x128xi32, #tpu.memory_space<hbm>>, %arg3: memref<32x79x128xi32, #tpu.memory_space<hbm>>, %arg4: memref<10112xf32, #tpu.memory_space<hbm>>, %arg5: memref<10112xf32, #tpu.memory_space<hbm>>, %arg6: memref<10112xf32, #tpu.memory_space<hbm>>, %arg7: memref<10112xf32, #tpu.memory_space<hbm>>, %arg8: memref<60672xf32, #tpu.memory_space<hbm>>, %arg9: memref<79x128xi32, #tpu.memory_space<vmem>>, %arg10: memref<79x128xi32, #tpu.memory_space<vmem>>, %arg11: memref<128xf32, #tpu.memory_space<vmem>>, %arg12: memref<128xf32, #tpu.memory_space<vmem>>, %arg13: memref<128xf32, #tpu.memory_space<vmem>>, %arg14: memref<632xf32, #tpu.memory_space<vmem>>, %arg15: memref<10112xf32, #tpu.memory_space<vmem_shared>>, %arg16: memref<10112xf32, #tpu.memory_space<vmem_shared>>, %arg17: memref<10112xf32, #tpu.memory_space<vmem_shared>>, %arg18: memref<!tpu.dma_semaphore, #tpu.memory_space<semaphore_mem>>, %arg19: memref<!tpu.dma_semaphore, #tpu.memory_space<semaphore_mem>>, %arg20: memref<!tpu.dma_semaphore, #tpu.memory_space<semaphore_mem>>) attributes {dimension_semantics = [#tpu.dimension_semantics<core_parallel>, #tpu.dimension_semantics<subcore_parallel>], iteration_bounds = array<i64: 2, 16>, scalar_prefetch = 0 : i64, scratch_operands = 12 : i64, tpu.core_type = #tpu.core_type<sc_vector_subcore>, window_params = [{transform_indices = #map}, {transform_indices = #map}, {transform_indices = #map1}, {transform_indices = #map1}, {transform_indices = #map1}, {transform_indices = #map1}, {transform_indices = #map1}]} {
    %mul3A = arith.constant 16 : i32
    %mul3A_0 = arith.muli %arg0, %mul3A : i32
    %add3A = arith.addi %mul3A_0, %arg1 : i32
    "tpu.region"() ({
      %run_scoped3A = tpu.sem_alloc : memref<!tpu.dma_semaphore, #tpu.memory_space<semaphore_mem>>
      %dma_start3A = arith.constant 0 : i32
      %dma_start3A_46 = arith.constant 0 : i32
      %dma_start3A_47 = tpu.memref_slice %arg2[%add3A, %dma_start3A, %dma_start3A_46] : memref<32x79x128xi32, #tpu.memory_space<hbm>> -> memref<1x79x128xi32, #tpu.memory_space<hbm>>
      %dma_start3A_48 = tpu.memref_squeeze %dma_start3A_47 : memref<1x79x128xi32, #tpu.memory_space<hbm>> -> memref<79x128xi32, #tpu.memory_space<hbm>>
      %dma_start3A_49 = arith.constant 0 : i32
      %dma_start3A_50 = arith.constant 0 : i32
      %dma_start3A_51 = tpu.memref_slice %arg2[%add3A, %dma_start3A_49, %dma_start3A_50] : memref<32x79x128xi32, #tpu.memory_space<hbm>> -> memref<1x79x128xi32, #tpu.memory_space<hbm>>
      %dma_start3A_52 = tpu.memref_squeeze %dma_start3A_51 : memref<1x79x128xi32, #tpu.memory_space<hbm>> -> memref<79x128xi32, #tpu.memory_space<hbm>>
      tpu.enqueue_dma source(%dma_start3A_52 : memref<79x128xi32, #tpu.memory_space<hbm>>) target(%arg9 : memref<79x128xi32, #tpu.memory_space<vmem>>) target_semaphore(%run_scoped3A : memref<!tpu.dma_semaphore, #tpu.memory_space<semaphore_mem>>)
      %dma_wait3A = arith.constant 0 : i32
      %dma_wait3A_53 = arith.constant 0 : i32
      %dma_wait3A_54 = tpu.memref_slice %arg2[%add3A, %dma_wait3A, %dma_wait3A_53] : memref<32x79x128xi32, #tpu.memory_space<hbm>> -> memref<1x79x128xi32, #tpu.memory_space<hbm>>
      %dma_wait3A_55 = tpu.memref_squeeze %dma_wait3A_54 : memref<1x79x128xi32, #tpu.memory_space<hbm>> -> memref<79x128xi32, #tpu.memory_space<hbm>>
      %dma_wait3A_56 = arith.constant 0 : i32
      %dma_wait3A_57 = arith.constant 0 : i32
      %dma_wait3A_58 = tpu.memref_slice %arg2[%add3A, %dma_wait3A_56, %dma_wait3A_57] : memref<32x79x128xi32, #tpu.memory_space<hbm>> -> memref<1x79x128xi32, #tpu.memory_space<hbm>>
      %dma_wait3A_59 = tpu.memref_squeeze %dma_wait3A_58 : memref<1x79x128xi32, #tpu.memory_space<hbm>> -> memref<79x128xi32, #tpu.memory_space<hbm>>
      tpu.wait_dma2 semaphore(%run_scoped3A : memref<!tpu.dma_semaphore, #tpu.memory_space<semaphore_mem>>) src(%dma_wait3A_59 : memref<79x128xi32, #tpu.memory_space<hbm>>) dst(%arg9 : memref<79x128xi32, #tpu.memory_space<vmem>>)
      tpu.yield
    }) : () -> ()
    "tpu.region"() ({
      %run_scoped3A = tpu.sem_alloc : memref<!tpu.dma_semaphore, #tpu.memory_space<semaphore_mem>>
      %dma_start3A = arith.constant 0 : i32
      %dma_start3A_46 = arith.constant 0 : i32
      %dma_start3A_47 = tpu.memref_slice %arg3[%add3A, %dma_start3A, %dma_start3A_46] : memref<32x79x128xi32, #tpu.memory_space<hbm>> -> memref<1x79x128xi32, #tpu.memory_space<hbm>>
      %dma_start3A_48 = tpu.memref_squeeze %dma_start3A_47 : memref<1x79x128xi32, #tpu.memory_space<hbm>> -> memref<79x128xi32, #tpu.memory_space<hbm>>
      %dma_start3A_49 = arith.constant 0 : i32
      %dma_start3A_50 = arith.constant 0 : i32
      %dma_start3A_51 = tpu.memref_slice %arg3[%add3A, %dma_start3A_49, %dma_start3A_50] : memref<32x79x128xi32, #tpu.memory_space<hbm>> -> memref<1x79x128xi32, #tpu.memory_space<hbm>>
      %dma_start3A_52 = tpu.memref_squeeze %dma_start3A_51 : memref<1x79x128xi32, #tpu.memory_space<hbm>> -> memref<79x128xi32, #tpu.memory_space<hbm>>
      tpu.enqueue_dma source(%dma_start3A_52 : memref<79x128xi32, #tpu.memory_space<hbm>>) target(%arg10 : memref<79x128xi32, #tpu.memory_space<vmem>>) target_semaphore(%run_scoped3A : memref<!tpu.dma_semaphore, #tpu.memory_space<semaphore_mem>>)
      %dma_wait3A = arith.constant 0 : i32
      %dma_wait3A_53 = arith.constant 0 : i32
      %dma_wait3A_54 = tpu.memref_slice %arg3[%add3A, %dma_wait3A, %dma_wait3A_53] : memref<32x79x128xi32, #tpu.memory_space<hbm>> -> memref<1x79x128xi32, #tpu.memory_space<hbm>>
      %dma_wait3A_55 = tpu.memref_squeeze %dma_wait3A_54 : memref<1x79x128xi32, #tpu.memory_space<hbm>> -> memref<79x128xi32, #tpu.memory_space<hbm>>
      %dma_wait3A_56 = arith.constant 0 : i32
      %dma_wait3A_57 = arith.constant 0 : i32
      %dma_wait3A_58 = tpu.memref_slice %arg3[%add3A, %dma_wait3A_56, %dma_wait3A_57] : memref<32x79x128xi32, #tpu.memory_space<hbm>> -> memref<1x79x128xi32, #tpu.memory_space<hbm>>
      %dma_wait3A_59 = tpu.memref_squeeze %dma_wait3A_58 : memref<1x79x128xi32, #tpu.memory_space<hbm>> -> memref<79x128xi32, #tpu.memory_space<hbm>>
      tpu.wait_dma2 semaphore(%run_scoped3A : memref<!tpu.dma_semaphore, #tpu.memory_space<semaphore_mem>>) src(%dma_wait3A_59 : memref<79x128xi32, #tpu.memory_space<hbm>>) dst(%arg10 : memref<79x128xi32, #tpu.memory_space<vmem>>)
      tpu.yield
    }) : () -> ()
    "tpu.region"() ({
      %run_scoped3A = tpu.sem_alloc : memref<!tpu.dma_semaphore, #tpu.memory_space<semaphore_mem>>
      %dma_start3A = arith.constant 0 : i32
      %dma_start3A_46 = tpu.memref_slice %arg7[%dma_start3A] : memref<10112xf32, #tpu.memory_space<hbm>> -> memref<632xf32, #tpu.memory_space<hbm>>
      %dma_start3A_47 = arith.constant 0 : i32
      %dma_start3A_48 = tpu.memref_slice %arg7[%dma_start3A_47] : memref<10112xf32, #tpu.memory_space<hbm>> -> memref<632xf32, #tpu.memory_space<hbm>>
      tpu.enqueue_dma source(%dma_start3A_48 : memref<632xf32, #tpu.memory_space<hbm>>) target(%arg14 : memref<632xf32, #tpu.memory_space<vmem>>) target_semaphore(%run_scoped3A : memref<!tpu.dma_semaphore, #tpu.memory_space<semaphore_mem>>)
      %dma_wait3A = arith.constant 0 : i32
      %dma_wait3A_49 = tpu.memref_slice %arg7[%dma_wait3A] : memref<10112xf32, #tpu.memory_space<hbm>> -> memref<632xf32, #tpu.memory_space<hbm>>
      %dma_wait3A_50 = arith.constant 0 : i32
      %dma_wait3A_51 = tpu.memref_slice %arg7[%dma_wait3A_50] : memref<10112xf32, #tpu.memory_space<hbm>> -> memref<632xf32, #tpu.memory_space<hbm>>
      tpu.wait_dma2 semaphore(%run_scoped3A : memref<!tpu.dma_semaphore, #tpu.memory_space<semaphore_mem>>) src(%dma_wait3A_51 : memref<632xf32, #tpu.memory_space<hbm>>) dst(%arg14 : memref<632xf32, #tpu.memory_space<vmem>>)
      tpu.yield
    }) : () -> ()
    %mul3A_1 = arith.constant 632 : i32
    %mul3A_2 = arith.muli %arg1, %mul3A_1 : i32
    "tpu.region"() ({
      %run_scoped3A = tpu.sem_alloc : memref<!tpu.dma_semaphore, #tpu.memory_space<semaphore_mem>>
      %dma_start3A = tpu.memref_slice %arg15[%mul3A_2] : memref<10112xf32, #tpu.memory_space<vmem_shared>> -> memref<632xf32, #tpu.memory_space<vmem_shared>>
      %dma_start3A_46 = tpu.memref_slice %arg15[%mul3A_2] : memref<10112xf32, #tpu.memory_space<vmem_shared>> -> memref<632xf32, #tpu.memory_space<vmem_shared>>
      tpu.enqueue_dma source(%arg14 : memref<632xf32, #tpu.memory_space<vmem>>) target(%dma_start3A_46 : memref<632xf32, #tpu.memory_space<vmem_shared>>) target_semaphore(%run_scoped3A : memref<!tpu.dma_semaphore, #tpu.memory_space<semaphore_mem>>)
      %dma_wait3A = tpu.memref_slice %arg15[%mul3A_2] : memref<10112xf32, #tpu.memory_space<vmem_shared>> -> memref<632xf32, #tpu.memory_space<vmem_shared>>
      %dma_wait3A_47 = tpu.memref_slice %arg15[%mul3A_2] : memref<10112xf32, #tpu.memory_space<vmem_shared>> -> memref<632xf32, #tpu.memory_space<vmem_shared>>
      tpu.wait_dma2 semaphore(%run_scoped3A : memref<!tpu.dma_semaphore, #tpu.memory_space<semaphore_mem>>) src(%arg14 : memref<632xf32, #tpu.memory_space<vmem>>) dst(%dma_wait3A_47 : memref<632xf32, #tpu.memory_space<vmem_shared>>)
      tpu.yield
    }) : () -> ()
    %mul3A_3 = arith.constant 632 : i32
    %mul3A_4 = arith.muli %arg1, %mul3A_3 : i32
    "tpu.region"() ({
      %run_scoped3A = tpu.sem_alloc : memref<!tpu.dma_semaphore, #tpu.memory_space<semaphore_mem>>
      %dma_start3A = tpu.memref_slice %arg16[%mul3A_4] : memref<10112xf32, #tpu.memory_space<vmem_shared>> -> memref<632xf32, #tpu.memory_space<vmem_shared>>
      %dma_start3A_46 = tpu.memref_slice %arg16[%mul3A_4] : memref<10112xf32, #tpu.memory_space<vmem_shared>> -> memref<632xf32, #tpu.memory_space<vmem_shared>>
      tpu.enqueue_dma source(%arg14 : memref<632xf32, #tpu.memory_space<vmem>>) target(%dma_start3A_46 : memref<632xf32, #tpu.memory_space<vmem_shared>>) target_semaphore(%run_scoped3A : memref<!tpu.dma_semaphore, #tpu.memory_space<semaphore_mem>>)
      %dma_wait3A = tpu.memref_slice %arg16[%mul3A_4] : memref<10112xf32, #tpu.memory_space<vmem_shared>> -> memref<632xf32, #tpu.memory_space<vmem_shared>>
      %dma_wait3A_47 = tpu.memref_slice %arg16[%mul3A_4] : memref<10112xf32, #tpu.memory_space<vmem_shared>> -> memref<632xf32, #tpu.memory_space<vmem_shared>>
      tpu.wait_dma2 semaphore(%run_scoped3A : memref<!tpu.dma_semaphore, #tpu.memory_space<semaphore_mem>>) src(%arg14 : memref<632xf32, #tpu.memory_space<vmem>>) dst(%dma_wait3A_47 : memref<632xf32, #tpu.memory_space<vmem_shared>>)
      tpu.yield
    }) : () -> ()
    %mul3A_5 = arith.constant 632 : i32
    %mul3A_6 = arith.muli %arg1, %mul3A_5 : i32
    "tpu.region"() ({
      %run_scoped3A = tpu.sem_alloc : memref<!tpu.dma_semaphore, #tpu.memory_space<semaphore_mem>>
      %dma_start3A = tpu.memref_slice %arg17[%mul3A_6] : memref<10112xf32, #tpu.memory_space<vmem_shared>> -> memref<632xf32, #tpu.memory_space<vmem_shared>>
      %dma_start3A_46 = tpu.memref_slice %arg17[%mul3A_6] : memref<10112xf32, #tpu.memory_space<vmem_shared>> -> memref<632xf32, #tpu.memory_space<vmem_shared>>
      tpu.enqueue_dma source(%arg14 : memref<632xf32, #tpu.memory_space<vmem>>) target(%dma_start3A_46 : memref<632xf32, #tpu.memory_space<vmem_shared>>) target_semaphore(%run_scoped3A : memref<!tpu.dma_semaphore, #tpu.memory_space<semaphore_mem>>)
      %dma_wait3A = tpu.memref_slice %arg17[%mul3A_6] : memref<10112xf32, #tpu.memory_space<vmem_shared>> -> memref<632xf32, #tpu.memory_space<vmem_shared>>
      %dma_wait3A_47 = tpu.memref_slice %arg17[%mul3A_6] : memref<10112xf32, #tpu.memory_space<vmem_shared>> -> memref<632xf32, #tpu.memory_space<vmem_shared>>
      tpu.wait_dma2 semaphore(%run_scoped3A : memref<!tpu.dma_semaphore, #tpu.memory_space<semaphore_mem>>) src(%arg14 : memref<632xf32, #tpu.memory_space<vmem>>) dst(%dma_wait3A_47 : memref<632xf32, #tpu.memory_space<vmem_shared>>)
      tpu.yield
    }) : () -> ()
    %barrier3A = arith.constant 0 : index
    tpu.barrier barrier_id(%barrier3A)
    %scan3A = arith.constant 0 : i32
    %scan3A_7 = arith.constant 0 : i32
    %scan3A_8 = arith.constant 79 : i32
    %scan3A_9 = arith.addi %scan3A_7, %scan3A_8 : i32
    %scan3A_10 = arith.constant 1 : i32
    scf.for %scan3A_46 = %scan3A_7 to %scan3A_9 step %scan3A_10  : i32 {
      %dma_start3A = arith.constant 0 : i32
      %dma_start3A_47 = tpu.memref_slice %arg9[%scan3A_46, %dma_start3A] : memref<79x128xi32, #tpu.memory_space<vmem>> -> memref<1x128xi32, #tpu.memory_space<vmem>>
      %dma_start3A_48 = tpu.memref_squeeze %dma_start3A_47 : memref<1x128xi32, #tpu.memory_space<vmem>> -> memref<128xi32, #tpu.memory_space<vmem>>
      %dma_start3A_49 = arith.constant 0 : i32
      %dma_start3A_50 = tpu.memref_slice %arg4[%dma_start3A_49] : memref<10112xf32, #tpu.memory_space<hbm>> -> memref<10112xf32, #tpu.memory_space<hbm>>
      tpu.enqueue_indirect_dma source(%dma_start3A_50 : memref<10112xf32, #tpu.memory_space<hbm>>) target(%arg11 : memref<128xf32, #tpu.memory_space<vmem>>) offsets(%dma_start3A_48 : memref<128xi32, #tpu.memory_space<vmem>>) semaphore(%arg18 : memref<!tpu.dma_semaphore, #tpu.memory_space<semaphore_mem>>)
      %dma_start3A_51 = arith.constant 0 : i32
      %dma_start3A_52 = tpu.memref_slice %arg9[%scan3A_46, %dma_start3A_51] : memref<79x128xi32, #tpu.memory_space<vmem>> -> memref<1x128xi32, #tpu.memory_space<vmem>>
      %dma_start3A_53 = tpu.memref_squeeze %dma_start3A_52 : memref<1x128xi32, #tpu.memory_space<vmem>> -> memref<128xi32, #tpu.memory_space<vmem>>
      %dma_start3A_54 = arith.constant 0 : i32
      %dma_start3A_55 = tpu.memref_slice %arg5[%dma_start3A_54] : memref<10112xf32, #tpu.memory_space<hbm>> -> memref<10112xf32, #tpu.memory_space<hbm>>
      tpu.enqueue_indirect_dma source(%dma_start3A_55 : memref<10112xf32, #tpu.memory_space<hbm>>) target(%arg12 : memref<128xf32, #tpu.memory_space<vmem>>) offsets(%dma_start3A_53 : memref<128xi32, #tpu.memory_space<vmem>>) semaphore(%arg19 : memref<!tpu.dma_semaphore, #tpu.memory_space<semaphore_mem>>)
      %dma_start3A_56 = arith.constant 0 : i32
      %dma_start3A_57 = tpu.memref_slice %arg9[%scan3A_46, %dma_start3A_56] : memref<79x128xi32, #tpu.memory_space<vmem>> -> memref<1x128xi32, #tpu.memory_space<vmem>>
      %dma_start3A_58 = tpu.memref_squeeze %dma_start3A_57 : memref<1x128xi32, #tpu.memory_space<vmem>> -> memref<128xi32, #tpu.memory_space<vmem>>
      %dma_start3A_59 = arith.constant 0 : i32
      %dma_start3A_60 = tpu.memref_slice %arg6[%dma_start3A_59] : memref<10112xf32, #tpu.memory_space<hbm>> -> memref<10112xf32, #tpu.memory_space<hbm>>
      tpu.enqueue_indirect_dma source(%dma_start3A_60 : memref<10112xf32, #tpu.memory_space<hbm>>) target(%arg13 : memref<128xf32, #tpu.memory_space<vmem>>) offsets(%dma_start3A_58 : memref<128xi32, #tpu.memory_space<vmem>>) semaphore(%arg20 : memref<!tpu.dma_semaphore, #tpu.memory_space<semaphore_mem>>)
      %dma_wait3A = arith.constant 0 : i32
      %dma_wait3A_61 = tpu.memref_slice %arg9[%scan3A_46, %dma_wait3A] : memref<79x128xi32, #tpu.memory_space<vmem>> -> memref<1x128xi32, #tpu.memory_space<vmem>>
      %dma_wait3A_62 = tpu.memref_squeeze %dma_wait3A_61 : memref<1x128xi32, #tpu.memory_space<vmem>> -> memref<128xi32, #tpu.memory_space<vmem>>
      %dma_wait3A_63 = arith.constant 0 : i32
      %dma_wait3A_64 = tpu.memref_slice %arg4[%dma_wait3A_63] : memref<10112xf32, #tpu.memory_space<hbm>> -> memref<10112xf32, #tpu.memory_space<hbm>>
      tpu.wait_indirect_dma semaphore(%arg18 : memref<!tpu.dma_semaphore, #tpu.memory_space<semaphore_mem>>) src(%dma_wait3A_64 : memref<10112xf32, #tpu.memory_space<hbm>>) dst(%arg11 : memref<128xf32, #tpu.memory_space<vmem>>)
      %dma_wait3A_65 = arith.constant 0 : i32
      %dma_wait3A_66 = tpu.memref_slice %arg9[%scan3A_46, %dma_wait3A_65] : memref<79x128xi32, #tpu.memory_space<vmem>> -> memref<1x128xi32, #tpu.memory_space<vmem>>
      %dma_wait3A_67 = tpu.memref_squeeze %dma_wait3A_66 : memref<1x128xi32, #tpu.memory_space<vmem>> -> memref<128xi32, #tpu.memory_space<vmem>>
      %dma_wait3A_68 = arith.constant 0 : i32
      %dma_wait3A_69 = tpu.memref_slice %arg5[%dma_wait3A_68] : memref<10112xf32, #tpu.memory_space<hbm>> -> memref<10112xf32, #tpu.memory_space<hbm>>
      tpu.wait_indirect_dma semaphore(%arg19 : memref<!tpu.dma_semaphore, #tpu.memory_space<semaphore_mem>>) src(%dma_wait3A_69 : memref<10112xf32, #tpu.memory_space<hbm>>) dst(%arg12 : memref<128xf32, #tpu.memory_space<vmem>>)
      %dma_wait3A_70 = arith.constant 0 : i32
      %dma_wait3A_71 = tpu.memref_slice %arg9[%scan3A_46, %dma_wait3A_70] : memref<79x128xi32, #tpu.memory_space<vmem>> -> memref<1x128xi32, #tpu.memory_space<vmem>>
      %dma_wait3A_72 = tpu.memref_squeeze %dma_wait3A_71 : memref<1x128xi32, #tpu.memory_space<vmem>> -> memref<128xi32, #tpu.memory_space<vmem>>
      %dma_wait3A_73 = arith.constant 0 : i32
      %dma_wait3A_74 = tpu.memref_slice %arg6[%dma_wait3A_73] : memref<10112xf32, #tpu.memory_space<hbm>> -> memref<10112xf32, #tpu.memory_space<hbm>>
      tpu.wait_indirect_dma semaphore(%arg20 : memref<!tpu.dma_semaphore, #tpu.memory_space<semaphore_mem>>) src(%dma_wait3A_74 : memref<10112xf32, #tpu.memory_space<hbm>>) dst(%arg13 : memref<128xf32, #tpu.memory_space<vmem>>)
      "tpu.region"() ({
        %run_scoped3A = tpu.sem_alloc : memref<!tpu.dma_semaphore, #tpu.memory_space<semaphore_mem>>
        %dma_start3A_75 = arith.constant 0 : i32
        %dma_start3A_76 = tpu.memref_slice %arg10[%scan3A_46, %dma_start3A_75] : memref<79x128xi32, #tpu.memory_space<vmem>> -> memref<1x128xi32, #tpu.memory_space<vmem>>
        %dma_start3A_77 = tpu.memref_squeeze %dma_start3A_76 : memref<1x128xi32, #tpu.memory_space<vmem>> -> memref<128xi32, #tpu.memory_space<vmem>>
        %dma_start3A_78 = arith.constant 0 : i32
        %dma_start3A_79 = tpu.memref_slice %arg15[%dma_start3A_78] : memref<10112xf32, #tpu.memory_space<vmem_shared>> -> memref<10112xf32, #tpu.memory_space<vmem_shared>>
        tpu.enqueue_indirect_dma source(%arg11 : memref<128xf32, #tpu.memory_space<vmem>>) target(%dma_start3A_79 : memref<10112xf32, #tpu.memory_space<vmem_shared>>) offsets(%dma_start3A_77 : memref<128xi32, #tpu.memory_space<vmem>>) semaphore(%run_scoped3A : memref<!tpu.dma_semaphore, #tpu.memory_space<semaphore_mem>>) {add = true}
        %dma_wait3A_80 = arith.constant 0 : i32
        %dma_wait3A_81 = tpu.memref_slice %arg10[%scan3A_46, %dma_wait3A_80] : memref<79x128xi32, #tpu.memory_space<vmem>> -> memref<1x128xi32, #tpu.memory_space<vmem>>
        %dma_wait3A_82 = tpu.memref_squeeze %dma_wait3A_81 : memref<1x128xi32, #tpu.memory_space<vmem>> -> memref<128xi32, #tpu.memory_space<vmem>>
        %dma_wait3A_83 = arith.constant 0 : i32
        %dma_wait3A_84 = tpu.memref_slice %arg15[%dma_wait3A_83] : memref<10112xf32, #tpu.memory_space<vmem_shared>> -> memref<10112xf32, #tpu.memory_space<vmem_shared>>
        tpu.wait_indirect_dma semaphore(%run_scoped3A : memref<!tpu.dma_semaphore, #tpu.memory_space<semaphore_mem>>) src(%arg11 : memref<128xf32, #tpu.memory_space<vmem>>) dst(%dma_wait3A_84 : memref<10112xf32, #tpu.memory_space<vmem_shared>>)
        tpu.yield
      }) : () -> ()
      "tpu.region"() ({
        %run_scoped3A = tpu.sem_alloc : memref<!tpu.dma_semaphore, #tpu.memory_space<semaphore_mem>>
        %dma_start3A_75 = arith.constant 0 : i32
        %dma_start3A_76 = tpu.memref_slice %arg10[%scan3A_46, %dma_start3A_75] : memref<79x128xi32, #tpu.memory_space<vmem>> -> memref<1x128xi32, #tpu.memory_space<vmem>>
        %dma_start3A_77 = tpu.memref_squeeze %dma_start3A_76 : memref<1x128xi32, #tpu.memory_space<vmem>> -> memref<128xi32, #tpu.memory_space<vmem>>
        %dma_start3A_78 = arith.constant 0 : i32
        %dma_start3A_79 = tpu.memref_slice %arg16[%dma_start3A_78] : memref<10112xf32, #tpu.memory_space<vmem_shared>> -> memref<10112xf32, #tpu.memory_space<vmem_shared>>
        tpu.enqueue_indirect_dma source(%arg12 : memref<128xf32, #tpu.memory_space<vmem>>) target(%dma_start3A_79 : memref<10112xf32, #tpu.memory_space<vmem_shared>>) offsets(%dma_start3A_77 : memref<128xi32, #tpu.memory_space<vmem>>) semaphore(%run_scoped3A : memref<!tpu.dma_semaphore, #tpu.memory_space<semaphore_mem>>) {add = true}
        %dma_wait3A_80 = arith.constant 0 : i32
        %dma_wait3A_81 = tpu.memref_slice %arg10[%scan3A_46, %dma_wait3A_80] : memref<79x128xi32, #tpu.memory_space<vmem>> -> memref<1x128xi32, #tpu.memory_space<vmem>>
        %dma_wait3A_82 = tpu.memref_squeeze %dma_wait3A_81 : memref<1x128xi32, #tpu.memory_space<vmem>> -> memref<128xi32, #tpu.memory_space<vmem>>
        %dma_wait3A_83 = arith.constant 0 : i32
        %dma_wait3A_84 = tpu.memref_slice %arg16[%dma_wait3A_83] : memref<10112xf32, #tpu.memory_space<vmem_shared>> -> memref<10112xf32, #tpu.memory_space<vmem_shared>>
        tpu.wait_indirect_dma semaphore(%run_scoped3A : memref<!tpu.dma_semaphore, #tpu.memory_space<semaphore_mem>>) src(%arg12 : memref<128xf32, #tpu.memory_space<vmem>>) dst(%dma_wait3A_84 : memref<10112xf32, #tpu.memory_space<vmem_shared>>)
        tpu.yield
      }) : () -> ()
      "tpu.region"() ({
        %run_scoped3A = tpu.sem_alloc : memref<!tpu.dma_semaphore, #tpu.memory_space<semaphore_mem>>
        %dma_start3A_75 = arith.constant 0 : i32
        %dma_start3A_76 = tpu.memref_slice %arg10[%scan3A_46, %dma_start3A_75] : memref<79x128xi32, #tpu.memory_space<vmem>> -> memref<1x128xi32, #tpu.memory_space<vmem>>
        %dma_start3A_77 = tpu.memref_squeeze %dma_start3A_76 : memref<1x128xi32, #tpu.memory_space<vmem>> -> memref<128xi32, #tpu.memory_space<vmem>>
        %dma_start3A_78 = arith.constant 0 : i32
        %dma_start3A_79 = tpu.memref_slice %arg17[%dma_start3A_78] : memref<10112xf32, #tpu.memory_space<vmem_shared>> -> memref<10112xf32, #tpu.memory_space<vmem_shared>>
        tpu.enqueue_indirect_dma source(%arg13 : memref<128xf32, #tpu.memory_space<vmem>>) target(%dma_start3A_79 : memref<10112xf32, #tpu.memory_space<vmem_shared>>) offsets(%dma_start3A_77 : memref<128xi32, #tpu.memory_space<vmem>>) semaphore(%run_scoped3A : memref<!tpu.dma_semaphore, #tpu.memory_space<semaphore_mem>>) {add = true}
        %dma_wait3A_80 = arith.constant 0 : i32
        %dma_wait3A_81 = tpu.memref_slice %arg10[%scan3A_46, %dma_wait3A_80] : memref<79x128xi32, #tpu.memory_space<vmem>> -> memref<1x128xi32, #tpu.memory_space<vmem>>
        %dma_wait3A_82 = tpu.memref_squeeze %dma_wait3A_81 : memref<1x128xi32, #tpu.memory_space<vmem>> -> memref<128xi32, #tpu.memory_space<vmem>>
        %dma_wait3A_83 = arith.constant 0 : i32
        %dma_wait3A_84 = tpu.memref_slice %arg17[%dma_wait3A_83] : memref<10112xf32, #tpu.memory_space<vmem_shared>> -> memref<10112xf32, #tpu.memory_space<vmem_shared>>
        tpu.wait_indirect_dma semaphore(%run_scoped3A : memref<!tpu.dma_semaphore, #tpu.memory_space<semaphore_mem>>) src(%arg13 : memref<128xf32, #tpu.memory_space<vmem>>) dst(%dma_wait3A_84 : memref<10112xf32, #tpu.memory_space<vmem_shared>>)
        tpu.yield
      }) : () -> ()
    }
    %scan3A_11 = arith.constant 79 : i32
    %barrier3A_12 = arith.constant 0 : index
    tpu.barrier barrier_id(%barrier3A_12)
    %mul3A_13 = arith.constant 632 : i32
    %mul3A_14 = arith.muli %arg1, %mul3A_13 : i32
    "tpu.region"() ({
      %run_scoped3A = tpu.sem_alloc : memref<!tpu.dma_semaphore, #tpu.memory_space<semaphore_mem>>
      %dma_start3A = tpu.memref_slice %arg15[%mul3A_14] : memref<10112xf32, #tpu.memory_space<vmem_shared>> -> memref<632xf32, #tpu.memory_space<vmem_shared>>
      %dma_start3A_46 = tpu.memref_slice %arg15[%mul3A_14] : memref<10112xf32, #tpu.memory_space<vmem_shared>> -> memref<632xf32, #tpu.memory_space<vmem_shared>>
      tpu.enqueue_dma source(%dma_start3A_46 : memref<632xf32, #tpu.memory_space<vmem_shared>>) target(%arg14 : memref<632xf32, #tpu.memory_space<vmem>>) target_semaphore(%run_scoped3A : memref<!tpu.dma_semaphore, #tpu.memory_space<semaphore_mem>>)
      %dma_wait3A = tpu.memref_slice %arg15[%mul3A_14] : memref<10112xf32, #tpu.memory_space<vmem_shared>> -> memref<632xf32, #tpu.memory_space<vmem_shared>>
      %dma_wait3A_47 = tpu.memref_slice %arg15[%mul3A_14] : memref<10112xf32, #tpu.memory_space<vmem_shared>> -> memref<632xf32, #tpu.memory_space<vmem_shared>>
      tpu.wait_dma2 semaphore(%run_scoped3A : memref<!tpu.dma_semaphore, #tpu.memory_space<semaphore_mem>>) src(%dma_wait3A_47 : memref<632xf32, #tpu.memory_space<vmem_shared>>) dst(%arg14 : memref<632xf32, #tpu.memory_space<vmem>>)
      tpu.yield
    }) : () -> ()
    %mul3A_15 = arith.constant 3 : i32
    %mul3A_16 = arith.muli %arg0, %mul3A_15 : i32
    %add3A_17 = arith.constant 0 : i32
    %add3A_18 = arith.addi %mul3A_16, %add3A_17 : i32
    %mul3A_19 = arith.constant 10112 : i32
    %mul3A_20 = arith.muli %add3A_18, %mul3A_19 : i32
    %mul3A_21 = arith.constant 632 : i32
    %mul3A_22 = arith.muli %arg1, %mul3A_21 : i32
    %add3A_23 = arith.addi %mul3A_20, %mul3A_22 : i32
    "tpu.region"() ({
      %run_scoped3A = tpu.sem_alloc : memref<!tpu.dma_semaphore, #tpu.memory_space<semaphore_mem>>
      %dma_start3A = tpu.memref_slice %arg8[%add3A_23] : memref<60672xf32, #tpu.memory_space<hbm>> -> memref<632xf32, #tpu.memory_space<hbm>>
      %dma_start3A_46 = tpu.memref_slice %arg8[%add3A_23] : memref<60672xf32, #tpu.memory_space<hbm>> -> memref<632xf32, #tpu.memory_space<hbm>>
      tpu.enqueue_dma source(%arg14 : memref<632xf32, #tpu.memory_space<vmem>>) target(%dma_start3A_46 : memref<632xf32, #tpu.memory_space<hbm>>) target_semaphore(%run_scoped3A : memref<!tpu.dma_semaphore, #tpu.memory_space<semaphore_mem>>)
      %dma_wait3A = tpu.memref_slice %arg8[%add3A_23] : memref<60672xf32, #tpu.memory_space<hbm>> -> memref<632xf32, #tpu.memory_space<hbm>>
      %dma_wait3A_47 = tpu.memref_slice %arg8[%add3A_23] : memref<60672xf32, #tpu.memory_space<hbm>> -> memref<632xf32, #tpu.memory_space<hbm>>
      tpu.wait_dma2 semaphore(%run_scoped3A : memref<!tpu.dma_semaphore, #tpu.memory_space<semaphore_mem>>) src(%arg14 : memref<632xf32, #tpu.memory_space<vmem>>) dst(%dma_wait3A_47 : memref<632xf32, #tpu.memory_space<hbm>>)
      tpu.yield
    }) : () -> ()
    %mul3A_24 = arith.constant 632 : i32
    %mul3A_25 = arith.muli %arg1, %mul3A_24 : i32
    "tpu.region"() ({
      %run_scoped3A = tpu.sem_alloc : memref<!tpu.dma_semaphore, #tpu.memory_space<semaphore_mem>>
      %dma_start3A = tpu.memref_slice %arg16[%mul3A_25] : memref<10112xf32, #tpu.memory_space<vmem_shared>> -> memref<632xf32, #tpu.memory_space<vmem_shared>>
      %dma_start3A_46 = tpu.memref_slice %arg16[%mul3A_25] : memref<10112xf32, #tpu.memory_space<vmem_shared>> -> memref<632xf32, #tpu.memory_space<vmem_shared>>
      tpu.enqueue_dma source(%dma_start3A_46 : memref<632xf32, #tpu.memory_space<vmem_shared>>) target(%arg14 : memref<632xf32, #tpu.memory_space<vmem>>) target_semaphore(%run_scoped3A : memref<!tpu.dma_semaphore, #tpu.memory_space<semaphore_mem>>)
      %dma_wait3A = tpu.memref_slice %arg16[%mul3A_25] : memref<10112xf32, #tpu.memory_space<vmem_shared>> -> memref<632xf32, #tpu.memory_space<vmem_shared>>
      %dma_wait3A_47 = tpu.memref_slice %arg16[%mul3A_25] : memref<10112xf32, #tpu.memory_space<vmem_shared>> -> memref<632xf32, #tpu.memory_space<vmem_shared>>
      tpu.wait_dma2 semaphore(%run_scoped3A : memref<!tpu.dma_semaphore, #tpu.memory_space<semaphore_mem>>) src(%dma_wait3A_47 : memref<632xf32, #tpu.memory_space<vmem_shared>>) dst(%arg14 : memref<632xf32, #tpu.memory_space<vmem>>)
      tpu.yield
    }) : () -> ()
    %mul3A_26 = arith.constant 3 : i32
    %mul3A_27 = arith.muli %arg0, %mul3A_26 : i32
    %add3A_28 = arith.constant 1 : i32
    %add3A_29 = arith.addi %mul3A_27, %add3A_28 : i32
    %mul3A_30 = arith.constant 10112 : i32
    %mul3A_31 = arith.muli %add3A_29, %mul3A_30 : i32
    %mul3A_32 = arith.constant 632 : i32
    %mul3A_33 = arith.muli %arg1, %mul3A_32 : i32
    %add3A_34 = arith.addi %mul3A_31, %mul3A_33 : i32
    "tpu.region"() ({
      %run_scoped3A = tpu.sem_alloc : memref<!tpu.dma_semaphore, #tpu.memory_space<semaphore_mem>>
      %dma_start3A = tpu.memref_slice %arg8[%add3A_34] : memref<60672xf32, #tpu.memory_space<hbm>> -> memref<632xf32, #tpu.memory_space<hbm>>
      %dma_start3A_46 = tpu.memref_slice %arg8[%add3A_34] : memref<60672xf32, #tpu.memory_space<hbm>> -> memref<632xf32, #tpu.memory_space<hbm>>
      tpu.enqueue_dma source(%arg14 : memref<632xf32, #tpu.memory_space<vmem>>) target(%dma_start3A_46 : memref<632xf32, #tpu.memory_space<hbm>>) target_semaphore(%run_scoped3A : memref<!tpu.dma_semaphore, #tpu.memory_space<semaphore_mem>>)
      %dma_wait3A = tpu.memref_slice %arg8[%add3A_34] : memref<60672xf32, #tpu.memory_space<hbm>> -> memref<632xf32, #tpu.memory_space<hbm>>
      %dma_wait3A_47 = tpu.memref_slice %arg8[%add3A_34] : memref<60672xf32, #tpu.memory_space<hbm>> -> memref<632xf32, #tpu.memory_space<hbm>>
      tpu.wait_dma2 semaphore(%run_scoped3A : memref<!tpu.dma_semaphore, #tpu.memory_space<semaphore_mem>>) src(%arg14 : memref<632xf32, #tpu.memory_space<vmem>>) dst(%dma_wait3A_47 : memref<632xf32, #tpu.memory_space<hbm>>)
      tpu.yield
    }) : () -> ()
    %mul3A_35 = arith.constant 632 : i32
    %mul3A_36 = arith.muli %arg1, %mul3A_35 : i32
    "tpu.region"() ({
      %run_scoped3A = tpu.sem_alloc : memref<!tpu.dma_semaphore, #tpu.memory_space<semaphore_mem>>
      %dma_start3A = tpu.memref_slice %arg17[%mul3A_36] : memref<10112xf32, #tpu.memory_space<vmem_shared>> -> memref<632xf32, #tpu.memory_space<vmem_shared>>
      %dma_start3A_46 = tpu.memref_slice %arg17[%mul3A_36] : memref<10112xf32, #tpu.memory_space<vmem_shared>> -> memref<632xf32, #tpu.memory_space<vmem_shared>>
      tpu.enqueue_dma source(%dma_start3A_46 : memref<632xf32, #tpu.memory_space<vmem_shared>>) target(%arg14 : memref<632xf32, #tpu.memory_space<vmem>>) target_semaphore(%run_scoped3A : memref<!tpu.dma_semaphore, #tpu.memory_space<semaphore_mem>>)
      %dma_wait3A = tpu.memref_slice %arg17[%mul3A_36] : memref<10112xf32, #tpu.memory_space<vmem_shared>> -> memref<632xf32, #tpu.memory_space<vmem_shared>>
      %dma_wait3A_47 = tpu.memref_slice %arg17[%mul3A_36] : memref<10112xf32, #tpu.memory_space<vmem_shared>> -> memref<632xf32, #tpu.memory_space<vmem_shared>>
      tpu.wait_dma2 semaphore(%run_scoped3A : memref<!tpu.dma_semaphore, #tpu.memory_space<semaphore_mem>>) src(%dma_wait3A_47 : memref<632xf32, #tpu.memory_space<vmem_shared>>) dst(%arg14 : memref<632xf32, #tpu.memory_space<vmem>>)
      tpu.yield
    }) : () -> ()
    %mul3A_37 = arith.constant 3 : i32
    %mul3A_38 = arith.muli %arg0, %mul3A_37 : i32
    %add3A_39 = arith.constant 2 : i32
    %add3A_40 = arith.addi %mul3A_38, %add3A_39 : i32
    %mul3A_41 = arith.constant 10112 : i32
    %mul3A_42 = arith.muli %add3A_40, %mul3A_41 : i32
    %mul3A_43 = arith.constant 632 : i32
    %mul3A_44 = arith.muli %arg1, %mul3A_43 : i32
    %add3A_45 = arith.addi %mul3A_42, %mul3A_44 : i32
    "tpu.region"() ({
      %run_scoped3A = tpu.sem_alloc : memref<!tpu.dma_semaphore, #tpu.memory_space<semaphore_mem>>
      %dma_start3A = tpu.memref_slice %arg8[%add3A_45] : memref<60672xf32, #tpu.memory_space<hbm>> -> memref<632xf32, #tpu.memory_space<hbm>>
      %dma_start3A_46 = tpu.memref_slice %arg8[%add3A_45] : memref<60672xf32, #tpu.memory_space<hbm>> -> memref<632xf32, #tpu.memory_space<hbm>>
      tpu.enqueue_dma source(%arg14 : memref<632xf32, #tpu.memory_space<vmem>>) target(%dma_start3A_46 : memref<632xf32, #tpu.memory_space<hbm>>) target_semaphore(%run_scoped3A : memref<!tpu.dma_semaphore, #tpu.memory_space<semaphore_mem>>)
      %dma_wait3A = tpu.memref_slice %arg8[%add3A_45] : memref<60672xf32, #tpu.memory_space<hbm>> -> memref<632xf32, #tpu.memory_space<hbm>>
      %dma_wait3A_47 = tpu.memref_slice %arg8[%add3A_45] : memref<60672xf32, #tpu.memory_space<hbm>> -> memref<632xf32, #tpu.memory_space<hbm>>
      tpu.wait_dma2 semaphore(%run_scoped3A : memref<!tpu.dma_semaphore, #tpu.memory_space<semaphore_mem>>) src(%arg14 : memref<632xf32, #tpu.memory_space<vmem>>) dst(%dma_wait3A_47 : memref<632xf32, #tpu.memory_space<hbm>>)
      tpu.yield
    }) : () -> ()
    return
  }
}

module attributes {stable_mosaic.version = 14 : i64} {
  func.func @_tc_prep_body(%arg0: memref<2x10112xf32, #tpu.memory_space<vmem>>, %arg1: memref<10000x128xf32, #tpu.memory_space<vmem>>, %arg2: memref<128x3xf32, #tpu.memory_space<vmem>>, %arg3: memref<3x10112xf32, #tpu.memory_space<vmem>>, %arg4: memref<1x10112xf32, #tpu.memory_space<vmem>>) attributes {dimension_semantics = [], scalar_prefetch = 0 : i64, scratch_operands = 0 : i64, tpu.core_type = #tpu.core_type<tc>} {
    %get3A = arith.constant 0 : index
    %get3A_0 = arith.constant 0 : index
    %get3A_1 = vector.load %arg0[%get3A, %get3A_0] : memref<2x10112xf32, #tpu.memory_space<vmem>>, vector<2x10112xf32>
    %slice3A = vector.extract_strided_slice %get3A_1 {offsets = [0, 0], sizes = [1, 10112], strides = [1, 1]} : vector<2x10112xf32> to vector<1x10112xf32>
    %slice3A_2 = vector.extract_strided_slice %get3A_1 {offsets = [1, 0], sizes = [1, 10112], strides = [1, 1]} : vector<2x10112xf32> to vector<1x10112xf32>
    %add3A = arith.addf %slice3A, %slice3A_2 : vector<1x10112xf32>
    %add3A_3 = arith.constant 1.000000e+00 : f32
    %add3A_4 = vector.broadcast %add3A_3 : f32 to vector<1x10112xf32>
    %add3A_5 = arith.addf %add3A, %add3A_4 : vector<1x10112xf32>
    %rsqrt3A = math.rsqrt %add3A_5 : vector<1x10112xf32>
    %swap3A = arith.constant 0 : index
    %swap3A_6 = arith.constant 0 : index
    %swap3A_7 = vector.load %arg4[%swap3A, %swap3A_6] : memref<1x10112xf32, #tpu.memory_space<vmem>>, vector<1x10112xf32>
    tpu.vector_store %arg4[%swap3A, %swap3A_6], %rsqrt3A {strides = array<i32>} : memref<1x10112xf32, #tpu.memory_space<vmem>>, vector<1x10112xf32>,
    %get3A_8 = arith.constant 0 : index
    %get3A_9 = arith.constant 0 : index
    %get3A_10 = vector.load %arg2[%get3A_8, %get3A_9] : memref<128x3xf32, #tpu.memory_space<vmem>>, vector<128x3xf32>
    %get3A_11 = arith.constant 0 : index
    %get3A_12 = arith.constant 0 : index
    %get3A_13 = vector.load %arg1[%get3A_11, %get3A_12] : memref<10000x128xf32, #tpu.memory_space<vmem>>, vector<10000x128xf32>
    %dot_general3A = arith.constant dense<0.000000e+00> : vector<3x10000xf32>
    %dot_general3A_14 = tpu.matmul %get3A_10, %get3A_13, %dot_general3A {dimension_numbers = #tpu.dot_dimension_numbers<[0], [1], [1], [0], [0, 1, 1, 0], [], []>, transpose_lhs_hint = false} : vector<128x3xf32>, vector<10000x128xf32>, vector<3x10000xf32> -> vector<3x10000xf32>
    %slice3A_15 = vector.extract_strided_slice %rsqrt3A {offsets = [0, 0], sizes = [1, 10000], strides = [1, 1]} : vector<1x10112xf32> to vector<1x10000xf32>
    %mul3A = vector.broadcast %slice3A_15 : vector<1x10000xf32> to vector<3x10000xf32>
    %mul3A_16 = arith.mulf %dot_general3A_14, %mul3A : vector<3x10000xf32>
    %broadcast_in_dim3A = arith.constant 0.000000e+00 : f32
    %broadcast_in_dim3A_17 = vector.broadcast %broadcast_in_dim3A : f32 to vector<3x112xf32>
    %concatenate3A = tpu.concatenate %mul3A_16, %broadcast_in_dim3A_17 in 1 : vector<3x10000xf32>, vector<3x112xf32> -> vector<3x10112xf32>
    %swap3A_18 = arith.constant 0 : index
    %swap3A_19 = arith.constant 0 : index
    %swap3A_20 = vector.load %arg3[%swap3A_18, %swap3A_19] : memref<3x10112xf32, #tpu.memory_space<vmem>>, vector<3x10112xf32>
    tpu.vector_store %arg3[%swap3A_18, %swap3A_19], %concatenate3A {strides = array<i32>} : memref<3x10112xf32, #tpu.memory_space<vmem>>, vector<3x10112xf32>,
    return
  }
}

module attributes {stable_mosaic.version = 14 : i64} {
  func.func @_tc_final_body(%arg0: memref<6x10112xf32, #tpu.memory_space<vmem>>, %arg1: memref<3x10112xf32, #tpu.memory_space<vmem>>, %arg2: memref<1x10112xf32, #tpu.memory_space<vmem>>, %arg3: memref<3x1xf32, #tpu.memory_space<vmem>>, %arg4: memref<4x3xf32, #tpu.memory_space<vmem>>, %arg5: memref<4x1xf32, #tpu.memory_space<vmem>>, %arg6: memref<3x10112xf32, #tpu.memory_space<vmem>>, %arg7: memref<4x10112xf32, #tpu.memory_space<vmem>>) attributes {dimension_semantics = [], scalar_prefetch = 0 : i64, scratch_operands = 0 : i64, tpu.core_type = #tpu.core_type<tc>} {
    %get3A = arith.constant 0 : index
    %get3A_0 = arith.constant 0 : index
    %get3A_1 = vector.load %arg0[%get3A, %get3A_0] : memref<6x10112xf32, #tpu.memory_space<vmem>>, vector<6x10112xf32>
    %get3A_2 = arith.constant 0 : index
    %get3A_3 = arith.constant 0 : index
    %get3A_4 = vector.load %arg1[%get3A_2, %get3A_3] : memref<3x10112xf32, #tpu.memory_space<vmem>>, vector<3x10112xf32>
    %get3A_5 = arith.constant 0 : index
    %get3A_6 = arith.constant 0 : index
    %get3A_7 = vector.load %arg2[%get3A_5, %get3A_6] : memref<1x10112xf32, #tpu.memory_space<vmem>>, vector<1x10112xf32>
    %slice3A = vector.extract_strided_slice %get3A_1 {offsets = [0, 0], sizes = [3, 10112], strides = [1, 1]} : vector<6x10112xf32> to vector<3x10112xf32>
    %slice3A_8 = vector.extract_strided_slice %get3A_1 {offsets = [3, 0], sizes = [3, 10112], strides = [1, 1]} : vector<6x10112xf32> to vector<3x10112xf32>
    %add3A = arith.addf %slice3A, %slice3A_8 : vector<3x10112xf32>
    %add3A_9 = arith.addf %add3A, %get3A_4 : vector<3x10112xf32>
    %mul3A = vector.broadcast %get3A_7 : vector<1x10112xf32> to vector<3x10112xf32>
    %mul3A_10 = arith.mulf %mul3A, %add3A_9 : vector<3x10112xf32>
    %get3A_11 = arith.constant 0 : index
    %get3A_12 = arith.constant 0 : index
    %get3A_13 = vector.load %arg3[%get3A_11, %get3A_12] : memref<3x1xf32, #tpu.memory_space<vmem>>, vector<3x1xf32>
    %add3A_14 = vector.broadcast %get3A_13 : vector<3x1xf32> to vector<3x10112xf32>
    %add3A_15 = arith.addf %mul3A_10, %add3A_14 : vector<3x10112xf32>
    %max3A = arith.constant 0.000000e+00 : f32
    %max3A_16 = vector.broadcast %max3A : f32 to vector<3x10112xf32>
    %max3A_17 = arith.maximumf %add3A_15, %max3A_16 : vector<3x10112xf32>
    %swap3A = arith.constant 0 : index
    %swap3A_18 = arith.constant 0 : index
    %swap3A_19 = vector.load %arg6[%swap3A, %swap3A_18] : memref<3x10112xf32, #tpu.memory_space<vmem>>, vector<3x10112xf32>
    tpu.vector_store %arg6[%swap3A, %swap3A_18], %max3A_17 {strides = array<i32>} : memref<3x10112xf32, #tpu.memory_space<vmem>>, vector<3x10112xf32>,
    %get3A_20 = arith.constant 0 : index
    %get3A_21 = arith.constant 0 : index
    %get3A_22 = vector.load %arg4[%get3A_20, %get3A_21] : memref<4x3xf32, #tpu.memory_space<vmem>>, vector<4x3xf32>
    %slice3A_23 = vector.extract_strided_slice %get3A_22 {offsets = [0, 0], sizes = [4, 1], strides = [1, 1]} : vector<4x3xf32> to vector<4x1xf32>
    %slice3A_24 = vector.extract_strided_slice %max3A_17 {offsets = [0, 0], sizes = [1, 10112], strides = [1, 1]} : vector<3x10112xf32> to vector<1x10112xf32>
    %mul3A_25 = vector.broadcast %slice3A_23 : vector<4x1xf32> to vector<4x10112xf32>
    %mul3A_26 = vector.broadcast %slice3A_24 : vector<1x10112xf32> to vector<4x10112xf32>
    %mul3A_27 = arith.mulf %mul3A_25, %mul3A_26 : vector<4x10112xf32>
    %slice3A_28 = vector.extract_strided_slice %get3A_22 {offsets = [0, 1], sizes = [4, 1], strides = [1, 1]} : vector<4x3xf32> to vector<4x1xf32>
    %slice3A_29 = vector.extract_strided_slice %max3A_17 {offsets = [1, 0], sizes = [1, 10112], strides = [1, 1]} : vector<3x10112xf32> to vector<1x10112xf32>
    %mul3A_30 = vector.broadcast %slice3A_28 : vector<4x1xf32> to vector<4x10112xf32>
    %mul3A_31 = vector.broadcast %slice3A_29 : vector<1x10112xf32> to vector<4x10112xf32>
    %mul3A_32 = arith.mulf %mul3A_30, %mul3A_31 : vector<4x10112xf32>
    %add3A_33 = arith.addf %mul3A_27, %mul3A_32 : vector<4x10112xf32>
    %slice3A_34 = vector.extract_strided_slice %get3A_22 {offsets = [0, 2], sizes = [4, 1], strides = [1, 1]} : vector<4x3xf32> to vector<4x1xf32>
    %slice3A_35 = vector.extract_strided_slice %max3A_17 {offsets = [2, 0], sizes = [1, 10112], strides = [1, 1]} : vector<3x10112xf32> to vector<1x10112xf32>
    %mul3A_36 = vector.broadcast %slice3A_34 : vector<4x1xf32> to vector<4x10112xf32>
    %mul3A_37 = vector.broadcast %slice3A_35 : vector<1x10112xf32> to vector<4x10112xf32>
    %mul3A_38 = arith.mulf %mul3A_36, %mul3A_37 : vector<4x10112xf32>
    %add3A_39 = arith.addf %add3A_33, %mul3A_38 : vector<4x10112xf32>
    %get3A_40 = arith.constant 0 : index
    %get3A_41 = arith.constant 0 : index
    %get3A_42 = vector.load %arg5[%get3A_40, %get3A_41] : memref<4x1xf32, #tpu.memory_space<vmem>>, vector<4x1xf32>
    %add3A_43 = vector.broadcast %get3A_42 : vector<4x1xf32> to vector<4x10112xf32>
    %add3A_44 = arith.addf %add3A_39, %add3A_43 : vector<4x10112xf32>
    %swap3A_45 = arith.constant 0 : index
    %swap3A_46 = arith.constant 0 : index
    %swap3A_47 = vector.load %arg7[%swap3A_45, %swap3A_46] : memref<4x10112xf32, #tpu.memory_space<vmem>>, vector<4x10112xf32>
    tpu.vector_store %arg7[%swap3A_45, %swap3A_46], %add3A_44 {strides = array<i32>} : memref<4x10112xf32, #tpu.memory_space<vmem>>, vector<4x10112xf32>,
    return
  }
}

</mosaic_0001>

<sc_bundles>
// kernel: kernel.6.cloned.1.call-start
scs
__scs_entry_jumppad:
0x0: {  	(pc) =	sbr.rel $0x88, $3  }
0x1: {  	(tag) =	ssettag $0x0;
	lr =	simm.s32 $0x1  }
0x2: {  	[smem:$0x3F9B] =	sst lr;
	_ =	strace $0xD0000000  }
0x3: {  	_ = 	snop  }
0x4: {  	_ = 	snop  }
0x5: {  	_ = 	snop  }
0x6: {  	_ = 	snop  }
0x7: {  	_ = 	snop  }
__scs_overlays_trampoline_lowered:
0x8: {  	[smem:$0x3FAA] =	sst s0  }
0x9: {  	[smem:$0x3FAB] =	sst s1  }
0xa: {  	[smem:$0x3FAC] =	sst s2  }
0xb: {  	[smem:$0x3FAD] =	sst s3  }
0xc: {  	[smem:$0x3FAE] =	sst s4  }
0xd: {  	[smem:$0x3FAF] =	sst s5  }
0xe: {  	[smem:$0x3FB0] =	sst s6  }
0xf: {  	[smem:$0x3FB1] =	sst s7  }
0x10: {  	[smem:$0x3FB2] =	sst s8  }
0x11: {  	[smem:$0x3FB3] =	sst s9;
	s0 =	simm.s32 @!p0 $0x0  }
0x12: {  	s1 =	sld [smem:$0x3F99];
	s0 =	simm.s32 @p0 $0x1  }
0x13: {  	[smem:$0x3FB4] =	sst s0;
	s0 =	simm.s32 @!p1 $0x0  }
0x14: {  	s2 =	sld [smem:$0x3F98];
	s0 =	simm.s32 @p1 $0x1  }
0x15: {  	[smem:$0x3FB5] =	sst s0;
	s0 =	simm.s32 @!p2 $0x0  }
0x16: {  	s3 =	sld [smem:$0x3FDB];
	s0 =	simm.s32 @p2 $0x1  }
0x17: {  	s4 =	simm.s32 $0x1BF5;
	[smem:$0x3FB7] =	sst s0  }
0x18: {  	s0 =	sld [smem:$0x3F9A];
	_ =	swait.ge [sflag:s4], $0x0  }
0x19: {  	s7 =	sld [smem:$0x3F9B]  }
0x1a: {  	s8 =	sadd.s32 $0xFFFFE003, lr  }
0x1b: {  	s9 =	sadd.s32 $0xFFFFFEF7, lr;
	s5 =	simm.s32 $0xFFFFFFFF;
	p2 =	slt.u32 s8, $0xFFFFF086  }
0x1c: {  	p1 =	slt.u32 s9, $0xF7A;
	s5 =	simm.s32 @!p2 $0x0  }
0x1d: {  	s5 =	simm.s32 @p1 $0x1;
	p0 =	seq.s32 s7, s2  }
0x1e: {  	s7 =	smul.u32 @!p0 $0xF7A, s2;
	p2 =	seq.s32 @!p0 s5, $0x0  }
0x1f: {  	s9 =	smul.u32 $0xF7A, s1;
	s8 =	simm.s32 @!p0 $0x1BF5;
	p2 =	por !p2, p0  }
0x20: {  	[sflag:s8] =	ssyncset.s32 @!p0 $0xFFFFF086;
	s6 =	sadd.s32 @!p0 s3, s7;
	s7 =	simm.s32 @!p0 $0x108  }
0x21: {  	s3 =	sadd.s32 s3, s9;
	s6 =	sadd.s32 @!p0 $0x88, s6;
	s7 =	simm.s32 @p2 $0x1082  }
0x22: {  	[simem:s7], [sflag:s8] =	dma.local @!p0 [hbm:s6], $0xF7A  }
0x23: {  	s9 =	sor.u32 $0xD0000000, s2;
	s6 =	simm.s32 $0x108;
	_ =	swait.ge @!p0 [sflag:s8], $0x0  }
0x24: {  	s3 =	sadd.s32 $0x88, s3;
	s6 =	simm.s32 @!p1 $0x1082;
	[sflag:s4] =	ssyncset.s32 $0xFFFFF086  }
0x25: {  	[simem:s6], [sflag:s4] =	dma.local [hbm:s3], $0xF7A  }
0x26: {  	[smem:$0x3F9B] =	sst s1;
	(tag) =	ssettag s2;
	_ =	strace s9  }
0x27: {  	s1 =	sld [smem:$0x3FAB]  }
0x28: {  	s2 =	sld [smem:$0x3FAC]  }
0x29: {  	s4 =	sld [smem:$0x3FAE]  }
0x2a: {  	p0 =	seq.s32 s5, $0x0;
	s5 =	sld [smem:$0x3FAF]  }
0x2b: {  	s6 =	sld [smem:$0x3FB0]  }
0x2c: {  	s7 =	sld [smem:$0x3FB1]  }
0x2d: {  	s3 =	simm.s32 $0x108;
	s8 =	sld [smem:$0x3FB2]  }
0x2e: {  	s3 =	simm.s32 @!p0 $0x1082;
	s9 =	sld [smem:$0x3FB3]  }
0x2f: {  	lr =	sadd.s32 s0, s3;
	s0 =	sld [smem:$0x3FAA]  }
0x30: {  	s3 =	sld [smem:$0x3FAD]  }
0x31: {  	[smem:$0x3FB6] =	sst s10  }
0x32: {  	s10 =	sld [smem:$0x3FB4];
	_ =	sdelay $0x3  }
0x33: {  	p0 =	seq.s32 s10, $0x1;
	s10 =	sld [smem:$0x3FB6];
	_ =	sdelay $0x3  }
0x34: {  	[smem:$0x3FB6] =	sst s10  }
0x35: {  	s10 =	sld [smem:$0x3FB5];
	_ =	sdelay $0x3  }
0x36: {  	p1 =	seq.s32 s10, $0x1;
	s10 =	sld [smem:$0x3FB6];
	_ =	sdelay $0x3  }
0x37: {  	[smem:$0x3FB6] =	sst s10  }
0x38: {  	s10 =	sld [smem:$0x3FB7]  }
0x39: {  	_ = 	snop;
	(pc) =	sbr.ind lr, $3  }
0x3a: {  	_ = 	snop  }
0x3b: {  	_ = 	snop  }
0x3c: {  	p2 =	seq.s32 s10, $0x1;
	s10 =	sld [smem:$0x3FB6]  }
0x3d: {  	_ =	shalt  }
0x3e: {  	_ =	shalt  }
0x3f: {  	_ =	shalt  }
0x40: {  	_ =	shalt  }
0x41: {  	_ =	shalt  }
0x42: {  	_ =	shalt  }
0x43: {  	_ =	shalt  }
0x44: {  	_ =	shalt  }
0x45: {  	_ =	shalt  }
0x46: {  	_ =	shalt  }
0x47: {  	_ =	shalt  }
0x48: {  	_ =	shalt  }
0x49: {  	_ =	shalt  }
0x4a: {  	_ =	shalt  }
0x4b: {  	_ =	shalt  }
0x4c: {  	_ =	shalt  }
0x4d: {  	_ =	shalt  }
0x4e: {  	_ =	shalt  }
0x4f: {  	_ =	shalt  }
0x50: {  	_ =	shalt  }
0x51: {  	_ =	shalt  }
0x52: {  	_ =	shalt  }
0x53: {  	_ =	shalt  }
0x54: {  	_ =	shalt  }
0x55: {  	_ =	shalt  }
0x56: {  	_ =	shalt  }
0x57: {  	_ =	shalt  }
0x58: {  	_ =	shalt  }
0x59: {  	_ =	shalt  }
0x5a: {  	_ =	shalt  }
0x5b: {  	_ =	shalt  }
0x5c: {  	_ =	shalt  }
0x5d: {  	_ =	shalt  }
0x5e: {  	_ =	shalt  }
0x5f: {  	_ =	shalt  }
0x60: {  	_ =	shalt  }
0x61: {  	_ =	shalt  }
0x62: {  	_ =	shalt  }
0x63: {  	_ =	shalt  }
0x64: {  	_ =	shalt  }
0x65: {  	_ =	shalt  }
0x66: {  	_ =	shalt  }
0x67: {  	_ =	shalt  }
0x68: {  	_ =	shalt  }
0x69: {  	_ =	shalt  }
0x6a: {  	_ =	shalt  }
0x6b: {  	_ =	shalt  }
0x6c: {  	_ =	shalt  }
0x6d: {  	_ =	shalt  }
0x6e: {  	_ =	shalt  }
0x6f: {  	_ =	shalt  }
0x70: {  	_ =	shalt  }
0x71: {  	_ =	shalt  }
0x72: {  	_ =	shalt  }
0x73: {  	_ =	shalt  }
0x74: {  	_ =	shalt  }
0x75: {  	_ =	shalt  }
0x76: {  	_ =	shalt  }
0x77: {  	_ =	shalt  }
0x78: {  	_ =	shalt  }
0x79: {  	_ =	shalt  }
0x7a: {  	_ =	shalt  }
0x7b: {  	_ =	shalt  }
0x7c: {  	_ =	shalt  }
0x7d: {  	_ =	shalt  }
0x7e: {  	_ =	shalt  }
0x7f: {  	_ =	shalt  }
0x80: {  	_ =	shalt  }
0x81: {  	_ =	shalt  }
0x82: {  	_ =	shalt  }
0x83: {  	_ =	shalt  }
0x84: {  	_ =	shalt  }
0x85: {  	_ =	shalt  }
0x86: {  	_ =	shalt  }
0x87: {  	_ =	shalt  }
.Lfunc_end0:
.L_simem_size_0:
called_computation_lowered:
.L_overlay_start_0:
0x88: {  	s2 =	sld [smem:$0x3FD9]  }
0x89: {  	s3 =	sld [smem:$0x3FFE];
	_ =	sdelay $0x1  }
0x8a: {  	s1 =	srdreg.scid  }
0x8b: {  	s0 =	sand.u32 $0x1, s1  }
0x8c: {  	s14 =	sshll.u32 s0, $0xA;
	s2 =	sadd.s32 s3, s2  }
0x8d: {  	s2 =	sadd.s32 s2, s14  }
0x8e: {  	[smem:$0x3FC2] =	sst s2  }
0x8f: {  	_ = 	snop  }
0x90: {  	s2 =	sld [smem:$0x3FD0];
	_ =	sdelay $0x2  }
0x91: {  	s15 =	simm.s32 $0xA;
	s4 =	simm.s32 $0x10  }
0x92: {  	[smem:s4], [sflag:s15] =	dma.local [hbm:s2], $0x1  }
0x93: {  	_ =	swait.eq [sflag:s15], $0x1  }
0x94: {  	[sflag:s15] =	ssyncset.done $0x0  }
0x95: {  	s16 =	sld [smem:$0x10];
	[sflag:s15] =	ssyncadd.s32 $0xFFFFFFFF  }
0x96: {  	s17 =	sld [smem:$0x11];
	(tm) =	ssettm $0x1  }
0x97: {  	s18 =	sld [smem:$0x3FFB];
	_ =	sdelay $0x3  }
0x98: {  	_ =	strace s18  }
0x99: {  	s4 =	sld [smem:$0x3FFC];
	_ =	sdelay $0x3  }
0x9a: {  	_ =	strace s4  }
0x9b: {  	s4 =	sld [smem:$0x3FFD];
	_ =	sdelay $0x3  }
0x9c: {  	_ =	strace s4  }
0x9d: {  	_ =	strace $0x8FFFFFFF  }
0x9e: {  	s19 =	sld [smem:$0x3FDB];
	_ =	sdelay $0x1  }
0x9f: {  	s5 =	simm.s32 $_scs_section_size  }
0xa0: {  	s6 =	simm.s32 $_size__tile_overlayer_lowered;
	s7 =	simm.s32 $_tile_overlayer_lowered  }
0xa1: {  	s22 =	simm.s32 $0x1BFF;
	s21 =	sshll.u32 s7, $0x1;
	s4 =	sadd.s32 s5, s19  }
0xa2: {  	s8 =	simm.s32 $0x0;
	s20 =	sshll.u32 s6, $0x1;
	s6 =	sadd.s32 s21, s4  }
0xa3: {  	[timem:s8], [sflag:s22] =	dma.local [hbm:s6], s20  }
0xa4: {  	_ =	swait.ge [sflag:s22], s20  }
0xa5: {  	s5 =	ssub.s32 $0x0, s20;
	[sflag:s22] =	ssyncset.done $0x0  }
0xa6: {  	[sflag:s22] =	ssyncadd.s32 s5;
	_ =	sdelay $0x1  }
0xa7: {  	s23 =	simm.s32 $0x1B8B  }
0xa8: {  	_ =	swait.ge [sflag:s23], $0x1  }
0xa9: {  	[sflag:s23] =	ssyncset.done $0x0  }
0xaa: {  	s25 =	simm.s32 $0x1B8E;
	s24 =	sld [smem:$0x3FFE];
	[sflag:s23] =	ssyncadd.s32 $0xFFFFFFFF  }
0xab: {  	s26 =	simm.s32 $execute0_lowered;
	[smem:$0x3FD2] =	sst s25  }
0xac: {  	s6 =	sshll.u32 s26, $0x1;
	_ =	strace $0x80000046;
	[dreg:$0x1] =	wrdreg $0xFFFFFFFF  }
0xad: {  	s28 =	simm.s32 $_size_execute0_lowered;
	s4 =	sadd.s32 s4, s6;
	[dreg:$0x0] =	wrdreg $0x0  }
0xae: {  	s6 =	sshll.u32 s28, $0x1;
	[dreg:$0x2] =	wrdreg s4  }
0xaf: {  	[dreg:$0x3] =	wrdreg s6  }
0xb0: {  	[dreg:$0x4] =	wrdreg $0xC0  }
0xb1: {  	_ =	task [dreg:s8], $0x5FFFF  }
0xb2: {  	[dreg:$0x1] =	wrdreg $0xFFFFFFFF  }
0xb3: {  	[dreg:$0x0] =	wrdreg $0x60  }
0xb4: {  	[dreg:$0x2] =	wrdreg s24  }
0xb5: {  	[dreg:$0x3] =	wrdreg s16  }
0xb6: {  	[dreg:$0x4] =	wrdreg s17  }
0xb7: {  	[dreg:$0x5] =	wrdreg $0x2B000  }
0xb8: {  	[dreg:$0x6] =	wrdreg $0x9  }
0xb9: {  	_ =	task.clear_ibuf [dreg:s8], $0x7FFFF;
	_ =	strace $0x90000046  }
0xba: {  	s29 =	simm.s32 $0x9;
	_ =	strace $0x80000048  }
0xbb: {  	_ =	swait.ge [sflag:s29], $0x1  }
0xbc: {  	[sflag:s29] =	ssyncadd.s32 $0xFFFFFFFF  }
0xbd: {  	_ =	strace $0x90000048  }
0xbe: {  	_ =	sfence  }
0xbf: {  	s30 =	sld [smem:$0x0];
	_ =	sdelay $0x2  }
0xc0: {  	s31 =	sshll.u32 s1, $0xD;
	s1 =	sshrl.u32 s1, $0x2  }
0xc1: {  	s3 =	sand.u32 $0x4000, s31;
	s1 =	sadd.s32 s1, s30  }
0xc2: {  	s0 =	sor.u32 s3, s0;
	s1 =	sshll.u32 s1, $0x11  }
0xc3: {  	s0 =	sor.u32 s1, s0  }
0xc4: {  	s0 =	sadd.s32 $0x8F2B, s0  }
0xc5: {  	[sflag:s0] =	ssyncadd.remote.s32 $0x1  }
0xc6: {  	_ =	sfence.sel $0xFFFF  }
0xc7: {  	[dreg:$0x0] =	wrdreg $0xFFFFFFFF;
	(pc) =	sbr.abs _section_cstart, $3  }
0xc8: {  	[dreg:$0x1] =	wrdreg $0xFFFFFFFF  }
0xc9: {  	_ =	task.clear_ibuf [dreg:s8], $0x2FFFF;
	_ =	strace $0x9FFFFFFF  }
0xca: {  	(tm) =	ssettm $0x7FFFFFFF  }
0xcb: {  	_ =	shalt  }
tec
execute0_lowered:
.L_overlay_start_1:
0x0: {  	(tag) =	ssettag $0x1  }
0x1: {  	s5 =	rddreg [dreg:$0x0]  }
0x2: {  	s1 =	rddreg [dreg:$0x1]  }
0x3: {  	s8 =	rddreg [dreg:$0x2]  }
0x4: {  	s0 =	srdreg.scid;
	s3 =	rddreg [dreg:$0x3]  }
0x5: {  	s4 =	simm.s32 $0x0;
	s12 =	simm.s32 $0x2880;
	s13 =	simm.s32 $0x80  }
0x6: {  	s14 =	simm.s32 $0x0;
	s6 =	sand.u32 $0x1, s0;
	s0 =	stileid.u32  }
0x7: {  	[smem:$0x7FF] =	sst s4;
	s2 =	sshll.u32 s6, $0x4;
	s9 =	smul.u32 $0x278, s0  }
0x8: {  	s10 =	smul.u32 $0x2780, s6;
	s6 =	ssub.s32 $0x2, s6;
	s2 =	sor.u32 s0, s2  }
0x9: {  	s11 =	sshrl.u32 s6, $0x1;
	s7 =	smul.u32 $0x500, s2;
	s2 =	rddreg [dreg:$0x4]  }
0xa: {  	_ =	strace $0x80000047;
	s10 =	sadd.s32 s9, s10;
	s11 =	ssub.s32 s6, s11  }
0xb: {  	s10 =	sshrl.u32 s10, $0x3;
	s7 =	sadd.s32 s7, s5;
	s5 =	sadd.s32 $0xA400, s5  }
0xc: {  	s8 =	sadd.s32 s8, s10;
	s10 =	simm.s32 $0x1;
	s6 =	sadd.s32 $0x400, s7  }
0xd: {  	s7 =	sadd.s32 s9, s3;
	s9 =	smax.u32 s11, $0x1;
	s11 =	simm.s32 $0x2800  }
.LBB2_1:
0xe: {  	[tilespmem:s4], [sflag:$0x1] =	stream.linear.gather [hbm4b:s6+s4], $0x2780, $0x38;
	[tilespmem:$0x2D78] =	vst v63  }
0xf: {  	_ =	swait.ge [sflag:s10], $0x2780  }
0x10: {  	[sflag:s10] =	ssyncset.done $0x0  }
0x11: {  	[sflag:s10] =	ssyncadd.s32 $0xFFFFD880  }
0x12: {  	[tilespmem:s11], [sflag:$0x1] =	stream.linear.gather [hbm4b:s5+s4], $0x80, $0x38;
	[tilespmem:$0x2D78] =	vst v63  }
0x13: {  	_ =	swait.ge [sflag:s10], $0x80  }
0x14: {  	[sflag:s10] =	ssyncset.done $0x0  }
0x15: {  	[sflag:s10] =	ssyncadd.s32 $0xFFFFFF80  }
0x16: {  	[tilespmem:s12], [sflag:$0x1] =	stream.linear.gather [hbm4b:s1+s4], $0x278, $0x38;
	[tilespmem:$0x2D78] =	vst v63  }
0x17: {  	_ =	swait.ge [sflag:s10], $0x278  }
0x18: {  	[sflag:s10] =	ssyncset.done $0x0  }
0x19: {  	[sflag:s10] =	ssyncadd.s32 $0xFFFFFD88  }
0x1a: {  	[spmem:s7] =	stream.linear.scatter [tilespmem:s12], [sflag:$0x1], $0x278, $0x38;
	[tilespmem:$0x2D78] =	vst v63  }
0x1b: {  	_ =	swait.ge [sflag:s10], $0x278  }
0x1c: {  	[sflag:s10] =	ssyncset.done $0x0  }
0x1d: {  	[sflag:s10] =	ssyncadd.s32 $0xFFFFFD88  }
0x1e: {  	s15 =	simm.s32 $0x0;
	[bflag:$0x0] =	sbarrier.arrive $0xFFFF  }
0x1f: {  	[spmem:s3] =	stream.indirect.scatter.add.f32 [tilespmem:s11], [sflag:$0x1], $0x1, s15, s13, $0xb8;
	[tilespmem:$0x2D78] =	vst v63  }
0x20: {  	_ =	swait.ge [sflag:s10], $0x80  }
0x21: {  	s15 =	simm.s32 $0x200;
	[sflag:s10] =	ssyncset.done $0x0  }
.LBB2_2:
0x22: {  	s16 =	sshra.s32 s15, $0x2;
	[sflag:s10] =	ssyncadd.s32 $0xFFFFFF80;
	p0 =	sne.s32 s15, $0x9C00  }
0x23: {  	[spmem:s3] =	stream.indirect.scatter.add.f32 [tilespmem:s11], [sflag:$0x1], $0x1, s16, s13, $0xb8;
	[tilespmem:$0x2D78] =	vst v63  }
.Ltmp0:
0x24: {  	_ = 	snop;
	(pc) =	sbr.rel @p0 .LBB2_2-.Ltmp0, $4  }
0x25: {  	_ = 	snop  }
0x26: {  	s15 =	sadd.s32 $0x200, s15  }
0x27: {  	_ =	swait.ge [sflag:s10], $0x80  }
0x28: {  	[sflag:s10] =	ssyncset.done $0x0  }
0x29: {  	[sflag:s10] =	ssyncadd.s32 $0xFFFFFF80  }
0x2a: {  	[bflag:$0x0] =	sbarrier.arrive $0xFFFF  }
0x2b: {  	[tilespmem:s12], [sflag:$0x1] =	stream.linear.gather [spmem:s7], $0x278, $0x38;
	[tilespmem:$0x2D78] =	vst v63  }
0x2c: {  	s14 =	sadd.s32 $0x1, s14;
	_ =	swait.ge [sflag:s10], $0x278  }
0x2d: {  	p0 =	sne.s32 s14, s9;
	[sflag:s10] =	ssyncset.done $0x0  }
.Ltmp1:
0x2e: {  	[sflag:s10] =	ssyncadd.s32 $0xFFFFFD88;
	(pc) =	sbr.rel @p0 .LBB2_1-.Ltmp1, $4  }
0x2f: {  	[hbm4b:s8+s4] =	stream.linear.scatter [tilespmem:s12], [sflag:$0x1], $0x278, $0x38;
	[tilespmem:$0x2D78] =	vst v63  }
0x30: {  	_ =	swait.ge [sflag:s10], $0x278  }
0x31: {  	[sflag:s10] =	ssyncset.done $0x0  }
0x32: {  	[sflag:s10] =	ssyncadd.s32 $0xFFFFFD88  }
0x33: {  	_ =	sfence.sel $0x180000  }
0x34: {  	[bflag:$0x0] =	sbarrier.arrive $0xFFFF  }
0x35: {  	p0 =	sne.s32 s0, $0x0;
	_ =	strace $0x90000047  }
0x36: {  	s0 =	sadd.s32 @!p0 $0x100000, s2;
	[bflag:$0x2] =	sbarrier.arrive $0xFFFF  }
0x37: {  	[sflag:s0] =	ssyncadd.tile.s32 @!p0 $0x1;
	_ =	shalt  }
.Lfunc_end2:
_tile_overlayer_lowered:
.L_overlay_start_2:
0x38: {  	(tag) =	ssettag $0x2  }
0x39: {  	s0 =	rddreg [dreg:$0x0];
	s2 =	stileid.u32  }
0x3a: {  	s1 =	rddreg [dreg:$0x1];
	p0 =	sne.s32 s2, $0x0  }
0x3b: {  	s3 =	rddreg [dreg:$0x2];
	[bflag:$0x3] =	sbarrier.arrive $0xFFFF;
	s2 =	simm.s32 @!p0 $0x1C01  }
0x3c: {  	[timem:s3], [sflag:s2] =	dma.local @!p0 [hbm:s0], s1  }
0x3d: {  	s0 =	simm.s32 @!p0 $0x1  }
0x3e: {  	_ =	swait.ge @!p0 [sflag:s0], s1  }
0x3f: {  	s1 =	ssub.s32 @!p0 $0x0, s1;
	[sflag:s0] =	ssyncset.done @!p0 $0x0  }
0x40: {  	[sflag:s0] =	ssyncadd.s32 @!p0 s1  }
0x41: {  	[bflag:$0x3] =	sbarrier.arrive $0xFFFF  }
0x42: {  	_ =	shalt  }

// kernel: kernel.9.cloned.1.call-start
scs
__scs_entry_jumppad:
0x0: {  	(pc) =	sbr.rel $0x88, $3  }
0x1: {  	(tag) =	ssettag $0x0;
	lr =	simm.s32 $0x1  }
0x2: {  	[smem:$0x3F9B] =	sst lr;
	_ =	strace $0xD0000000  }
0x3: {  	_ = 	snop  }
0x4: {  	_ = 	snop  }
0x5: {  	_ = 	snop  }
0x6: {  	_ = 	snop  }
0x7: {  	_ = 	snop  }
__scs_overlays_trampoline_lowered:
0x8: {  	[smem:$0x3FAA] =	sst s0  }
0x9: {  	[smem:$0x3FAB] =	sst s1  }
0xa: {  	[smem:$0x3FAC] =	sst s2  }
0xb: {  	[smem:$0x3FAD] =	sst s3  }
0xc: {  	[smem:$0x3FAE] =	sst s4  }
0xd: {  	[smem:$0x3FAF] =	sst s5  }
0xe: {  	[smem:$0x3FB0] =	sst s6  }
0xf: {  	[smem:$0x3FB1] =	sst s7  }
0x10: {  	[smem:$0x3FB2] =	sst s8  }
0x11: {  	[smem:$0x3FB3] =	sst s9;
	s0 =	simm.s32 @!p0 $0x0  }
0x12: {  	s1 =	sld [smem:$0x3F99];
	s0 =	simm.s32 @p0 $0x1  }
0x13: {  	[smem:$0x3FB4] =	sst s0;
	s0 =	simm.s32 @!p1 $0x0  }
0x14: {  	s2 =	sld [smem:$0x3F98];
	s0 =	simm.s32 @p1 $0x1  }
0x15: {  	[smem:$0x3FB5] =	sst s0;
	s0 =	simm.s32 @!p2 $0x0  }
0x16: {  	s3 =	sld [smem:$0x3FDB];
	s0 =	simm.s32 @p2 $0x1  }
0x17: {  	s4 =	simm.s32 $0x1BF5;
	[smem:$0x3FB7] =	sst s0  }
0x18: {  	s0 =	sld [smem:$0x3F9A];
	_ =	swait.ge [sflag:s4], $0x0  }
0x19: {  	s7 =	sld [smem:$0x3F9B]  }
0x1a: {  	s8 =	sadd.s32 $0xFFFFE003, lr  }
0x1b: {  	s9 =	sadd.s32 $0xFFFFFEF7, lr;
	s5 =	simm.s32 $0xFFFFFFFF;
	p2 =	slt.u32 s8, $0xFFFFF086  }
0x1c: {  	p1 =	slt.u32 s9, $0xF7A;
	s5 =	simm.s32 @!p2 $0x0  }
0x1d: {  	s5 =	simm.s32 @p1 $0x1;
	p0 =	seq.s32 s7, s2  }
0x1e: {  	s7 =	smul.u32 @!p0 $0xF7A, s2;
	p2 =	seq.s32 @!p0 s5, $0x0  }
0x1f: {  	s9 =	smul.u32 $0xF7A, s1;
	s8 =	simm.s32 @!p0 $0x1BF5;
	p2 =	por !p2, p0  }
0x20: {  	[sflag:s8] =	ssyncset.s32 @!p0 $0xFFFFF086;
	s6 =	sadd.s32 @!p0 s3, s7;
	s7 =	simm.s32 @!p0 $0x108  }
0x21: {  	s3 =	sadd.s32 s3, s9;
	s6 =	sadd.s32 @!p0 $0x88, s6;
	s7 =	simm.s32 @p2 $0x1082  }
0x22: {  	[simem:s7], [sflag:s8] =	dma.local @!p0 [hbm:s6], $0xF7A  }
0x23: {  	s9 =	sor.u32 $0xD0000000, s2;
	s6 =	simm.s32 $0x108;
	_ =	swait.ge @!p0 [sflag:s8], $0x0  }
0x24: {  	s3 =	sadd.s32 $0x88, s3;
	s6 =	simm.s32 @!p1 $0x1082;
	[sflag:s4] =	ssyncset.s32 $0xFFFFF086  }
0x25: {  	[simem:s6], [sflag:s4] =	dma.local [hbm:s3], $0xF7A  }
0x26: {  	[smem:$0x3F9B] =	sst s1;
	(tag) =	ssettag s2;
	_ =	strace s9  }
0x27: {  	s1 =	sld [smem:$0x3FAB]  }
0x28: {  	s2 =	sld [smem:$0x3FAC]  }
0x29: {  	s4 =	sld [smem:$0x3FAE]  }
0x2a: {  	p0 =	seq.s32 s5, $0x0;
	s5 =	sld [smem:$0x3FAF]  }
0x2b: {  	s6 =	sld [smem:$0x3FB0]  }
0x2c: {  	s7 =	sld [smem:$0x3FB1]  }
0x2d: {  	s3 =	simm.s32 $0x108;
	s8 =	sld [smem:$0x3FB2]  }
0x2e: {  	s3 =	simm.s32 @!p0 $0x1082;
	s9 =	sld [smem:$0x3FB3]  }
0x2f: {  	lr =	sadd.s32 s0, s3;
	s0 =	sld [smem:$0x3FAA]  }
0x30: {  	s3 =	sld [smem:$0x3FAD]  }
0x31: {  	[smem:$0x3FB6] =	sst s10  }
0x32: {  	s10 =	sld [smem:$0x3FB4];
	_ =	sdelay $0x3  }
0x33: {  	p0 =	seq.s32 s10, $0x1;
	s10 =	sld [smem:$0x3FB6];
	_ =	sdelay $0x3  }
0x34: {  	[smem:$0x3FB6] =	sst s10  }
0x35: {  	s10 =	sld [smem:$0x3FB5];
	_ =	sdelay $0x3  }
0x36: {  	p1 =	seq.s32 s10, $0x1;
	s10 =	sld [smem:$0x3FB6];
	_ =	sdelay $0x3  }
0x37: {  	[smem:$0x3FB6] =	sst s10  }
0x38: {  	s10 =	sld [smem:$0x3FB7]  }
0x39: {  	_ = 	snop;
	(pc) =	sbr.ind lr, $3  }
0x3a: {  	_ = 	snop  }
0x3b: {  	_ = 	snop  }
0x3c: {  	p2 =	seq.s32 s10, $0x1;
	s10 =	sld [smem:$0x3FB6]  }
0x3d: {  	_ =	shalt  }
0x3e: {  	_ =	shalt  }
0x3f: {  	_ =	shalt  }
0x40: {  	_ =	shalt  }
0x41: {  	_ =	shalt  }
0x42: {  	_ =	shalt  }
0x43: {  	_ =	shalt  }
0x44: {  	_ =	shalt  }
0x45: {  	_ =	shalt  }
0x46: {  	_ =	shalt  }
0x47: {  	_ =	shalt  }
0x48: {  	_ =	shalt  }
0x49: {  	_ =	shalt  }
0x4a: {  	_ =	shalt  }
0x4b: {  	_ =	shalt  }
0x4c: {  	_ =	shalt  }
0x4d: {  	_ =	shalt  }
0x4e: {  	_ =	shalt  }
0x4f: {  	_ =	shalt  }
0x50: {  	_ =	shalt  }
0x51: {  	_ =	shalt  }
0x52: {  	_ =	shalt  }
0x53: {  	_ =	shalt  }
0x54: {  	_ =	shalt  }
0x55: {  	_ =	shalt  }
0x56: {  	_ =	shalt  }
0x57: {  	_ =	shalt  }
0x58: {  	_ =	shalt  }
0x59: {  	_ =	shalt  }
0x5a: {  	_ =	shalt  }
0x5b: {  	_ =	shalt  }
0x5c: {  	_ =	shalt  }
0x5d: {  	_ =	shalt  }
0x5e: {  	_ =	shalt  }
0x5f: {  	_ =	shalt  }
0x60: {  	_ =	shalt  }
0x61: {  	_ =	shalt  }
0x62: {  	_ =	shalt  }
0x63: {  	_ =	shalt  }
0x64: {  	_ =	shalt  }
0x65: {  	_ =	shalt  }
0x66: {  	_ =	shalt  }
0x67: {  	_ =	shalt  }
0x68: {  	_ =	shalt  }
0x69: {  	_ =	shalt  }
0x6a: {  	_ =	shalt  }
0x6b: {  	_ =	shalt  }
0x6c: {  	_ =	shalt  }
0x6d: {  	_ =	shalt  }
0x6e: {  	_ =	shalt  }
0x6f: {  	_ =	shalt  }
0x70: {  	_ =	shalt  }
0x71: {  	_ =	shalt  }
0x72: {  	_ =	shalt  }
0x73: {  	_ =	shalt  }
0x74: {  	_ =	shalt  }
0x75: {  	_ =	shalt  }
0x76: {  	_ =	shalt  }
0x77: {  	_ =	shalt  }
0x78: {  	_ =	shalt  }
0x79: {  	_ =	shalt  }
0x7a: {  	_ =	shalt  }
0x7b: {  	_ =	shalt  }
0x7c: {  	_ =	shalt  }
0x7d: {  	_ =	shalt  }
0x7e: {  	_ =	shalt  }
0x7f: {  	_ =	shalt  }
0x80: {  	_ =	shalt  }
0x81: {  	_ =	shalt  }
0x82: {  	_ =	shalt  }
0x83: {  	_ =	shalt  }
0x84: {  	_ =	shalt  }
0x85: {  	_ =	shalt  }
0x86: {  	_ =	shalt  }
0x87: {  	_ =	shalt  }
.Lfunc_end0:
.L_simem_size_0:
called_computation.1_lowered:
.L_overlay_start_0:
0x88: {  	s2 =	sld [smem:$0x3FD9]  }
0x89: {  	s3 =	sld [smem:$0x3FFE];
	_ =	sdelay $0x1  }
0x8a: {  	s1 =	srdreg.scid  }
0x8b: {  	s0 =	sand.u32 $0x1, s1  }
0x8c: {  	s14 =	sshll.u32 s0, $0xA;
	s2 =	sadd.s32 s3, s2  }
0x8d: {  	s2 =	sadd.s32 s2, s14  }
0x8e: {  	[smem:$0x3FC2] =	sst s2  }
0x8f: {  	_ = 	snop  }
0x90: {  	s2 =	sld [smem:$0x3FD0];
	_ =	sdelay $0x2  }
0x91: {  	s15 =	simm.s32 $0xA;
	s4 =	simm.s32 $0x10  }
0x92: {  	[smem:s4], [sflag:s15] =	dma.local [hbm:s2], $0x1  }
0x93: {  	_ =	swait.eq [sflag:s15], $0x1  }
0x94: {  	[sflag:s15] =	ssyncset.done $0x0  }
0x95: {  	s16 =	sld [smem:$0x10];
	[sflag:s15] =	ssyncadd.s32 $0xFFFFFFFF  }
0x96: {  	s17 =	sld [smem:$0x11];
	(tm) =	ssettm $0x1  }
0x97: {  	s18 =	sld [smem:$0x3FFB];
	_ =	sdelay $0x3  }
0x98: {  	_ =	strace s18  }
0x99: {  	s4 =	sld [smem:$0x3FFC];
	_ =	sdelay $0x3  }
0x9a: {  	_ =	strace s4  }
0x9b: {  	s4 =	sld [smem:$0x3FFD];
	_ =	sdelay $0x3  }
0x9c: {  	_ =	strace s4  }
0x9d: {  	_ =	strace $0x8FFFFFFF  }
0x9e: {  	s19 =	sld [smem:$0x3FDB];
	_ =	sdelay $0x1  }
0x9f: {  	s5 =	simm.s32 $_scs_section_size  }
0xa0: {  	s6 =	simm.s32 $_size__tile_overlayer_lowered;
	s7 =	simm.s32 $_tile_overlayer_lowered  }
0xa1: {  	s22 =	simm.s32 $0x1BFF;
	s21 =	sshll.u32 s7, $0x1;
	s4 =	sadd.s32 s5, s19  }
0xa2: {  	s8 =	simm.s32 $0x0;
	s20 =	sshll.u32 s6, $0x1;
	s6 =	sadd.s32 s21, s4  }
0xa3: {  	[timem:s8], [sflag:s22] =	dma.local [hbm:s6], s20  }
0xa4: {  	_ =	swait.ge [sflag:s22], s20  }
0xa5: {  	s5 =	ssub.s32 $0x0, s20;
	[sflag:s22] =	ssyncset.done $0x0  }
0xa6: {  	[sflag:s22] =	ssyncadd.s32 s5;
	_ =	sdelay $0x1  }
0xa7: {  	s23 =	simm.s32 $0x1B8B  }
0xa8: {  	_ =	swait.ge [sflag:s23], $0x1  }
0xa9: {  	[sflag:s23] =	ssyncset.done $0x0  }
0xaa: {  	s25 =	simm.s32 $0x1B8E;
	s24 =	sld [smem:$0x3FFE];
	[sflag:s23] =	ssyncadd.s32 $0xFFFFFFFF  }
0xab: {  	s26 =	simm.s32 $execute0_lowered;
	[smem:$0x3FD2] =	sst s25  }
0xac: {  	s6 =	sshll.u32 s26, $0x1;
	_ =	strace $0x80000049;
	[dreg:$0x1] =	wrdreg $0xFFFFFFFF  }
0xad: {  	s28 =	simm.s32 $_size_execute0_lowered;
	s4 =	sadd.s32 s4, s6;
	[dreg:$0x0] =	wrdreg $0x0  }
0xae: {  	s6 =	sshll.u32 s28, $0x1;
	[dreg:$0x2] =	wrdreg s4  }
0xaf: {  	[dreg:$0x3] =	wrdreg s6  }
0xb0: {  	[dreg:$0x4] =	wrdreg $0xC0  }
0xb1: {  	_ =	task [dreg:s8], $0x5FFFF  }
0xb2: {  	[dreg:$0x1] =	wrdreg $0xFFFFFFFF  }
0xb3: {  	[dreg:$0x0] =	wrdreg $0x60  }
0xb4: {  	[dreg:$0x2] =	wrdreg s24  }
0xb5: {  	[dreg:$0x3] =	wrdreg s17  }
0xb6: {  	[dreg:$0x4] =	wrdreg s16  }
0xb7: {  	[dreg:$0x5] =	wrdreg $0x54000  }
0xb8: {  	[dreg:$0x6] =	wrdreg $0x56780  }
0xb9: {  	[dreg:$0x7] =	wrdreg $0x58F00  }
0xba: {  	[dreg:$0x8] =	wrdreg $0x9  }
0xbb: {  	_ =	task.clear_ibuf [dreg:s8], $0x9FFFF;
	_ =	strace $0x90000049  }
0xbc: {  	s29 =	simm.s32 $0x9;
	_ =	strace $0x8000004B  }
0xbd: {  	_ =	swait.ge [sflag:s29], $0x1  }
0xbe: {  	[sflag:s29] =	ssyncadd.s32 $0xFFFFFFFF  }
0xbf: {  	_ =	strace $0x9000004B  }
0xc0: {  	_ =	sfence  }
0xc1: {  	s30 =	sld [smem:$0x0];
	_ =	sdelay $0x2  }
0xc2: {  	s31 =	sshll.u32 s1, $0xD;
	s1 =	sshrl.u32 s1, $0x2  }
0xc3: {  	s3 =	sand.u32 $0x4000, s31;
	s1 =	sadd.s32 s1, s30  }
0xc4: {  	s0 =	sor.u32 s3, s0;
	s1 =	sshll.u32 s1, $0x11  }
0xc5: {  	s0 =	sor.u32 s1, s0  }
0xc6: {  	s0 =	sadd.s32 $0x8F2B, s0  }
0xc7: {  	[sflag:s0] =	ssyncadd.remote.s32 $0x1  }
0xc8: {  	_ =	sfence.sel $0xFFFF  }
0xc9: {  	[dreg:$0x0] =	wrdreg $0xFFFFFFFF;
	(pc) =	sbr.abs _section_cstart, $3  }
0xca: {  	[dreg:$0x1] =	wrdreg $0xFFFFFFFF  }
0xcb: {  	_ =	task.clear_ibuf [dreg:s8], $0x2FFFF;
	_ =	strace $0x9FFFFFFF  }
0xcc: {  	(tm) =	ssettm $0x7FFFFFFF  }
0xcd: {  	_ =	shalt  }
tec
execute0_lowered:
.L_overlay_start_1:
0x0: {  	(tag) =	ssettag $0x1  }
0x1: {  	s3 =	rddreg [dreg:$0x0]  }
0x2: {  	s0 =	srdreg.scid;
	s1 =	rddreg [dreg:$0x1]  }
0x3: {  	s26 =	stileid.u32;
	s4 =	rddreg [dreg:$0x3];
	s7 =	simm.s32 $0x0  }
0x4: {  	s19 =	simm.s32 $0x4;
	s20 =	simm.s32 $0x2800;
	s21 =	simm.s32 $0x5180  }
0x5: {  	s22 =	simm.s32 $0x80;
	s23 =	simm.s32 $0x5000;
	s24 =	simm.s32 $0x5080  }
0x6: {  	s25 =	simm.s32 $0x5100;
	s28 =	simm.s32 $0x2;
	s29 =	simm.s32 $0x3  }
0x7: {  	s30 =	simm.s32 $0x0;
	s9 =	sand.u32 $0x1, s0;
	s14 =	smul.u32 $0x278, s26  }
0x8: {  	[smem:$0x7FF] =	sst s7;
	s5 =	sshll.u32 s9, $0x4;
	s10 =	smul.u32 $0x7680, s9  }
0x9: {  	s12 =	ssub.s32 $0x2, s9;
	s9 =	sadd.s32 $0x14600, s3;
	s6 =	sor.u32 s26, s5  }
0xa: {  	s5 =	rddreg [dreg:$0x4];
	s31 =	sshrl.u32 s12, $0x1;
	s26 =	simm.s32 $0x1  }
0xb: {  	s8 =	smul.u32 $0x500, s6;
	s6 =	rddreg [dreg:$0x5];
	_ =	strace $0x8000004A  }
0xc: {  	s10 =	sadd.s32 s14, s10;
	s18 =	ssub.s32 s12, s31;
	s12 =	sadd.s32 s14, s4  }
0xd: {  	s13 =	sadd.s32 s14, s5;
	s10 =	sshrl.u32 s10, $0x3;
	s14 =	sadd.s32 s14, s6  }
0xe: {  	s18 =	smax.u32 s18, $0x1;
	s11 =	sadd.s32 s8, s3;
	s8 =	sadd.s32 $0x14C00, s3  }
0xf: {  	s3 =	sadd.s32 s10, s3;
	s10 =	sadd.s32 $0xA600, s11;
	s11 =	sadd.s32 $0x400, s11  }
0x10: {  	s15 =	sadd.s32 $0x15200, s3;
	s16 =	sadd.s32 $0x156F0, s3;
	s17 =	sadd.s32 $0x15BE0, s3  }
.LBB2_1:
0x11: {  	[tilespmem:s7], [sflag:$0x4] =	stream.linear.gather [hbm4b:s10+s7], $0x2780, $0x38;
	[tilespmem:$0x5B68] =	vst v63  }
0x12: {  	_ =	swait.ge [sflag:s19], $0x2780  }
0x13: {  	[sflag:s19] =	ssyncset.done $0x0  }
0x14: {  	[sflag:s19] =	ssyncadd.s32 $0xFFFFD880  }
0x15: {  	[tilespmem:s20], [sflag:$0x4] =	stream.linear.gather [hbm4b:s11+s7], $0x2780, $0x38;
	[tilespmem:$0x5B68] =	vst v63  }
0x16: {  	_ =	swait.ge [sflag:s19], $0x2780  }
0x17: {  	[sflag:s19] =	ssyncset.done $0x0  }
0x18: {  	[sflag:s19] =	ssyncadd.s32 $0xFFFFD880  }
0x19: {  	s0 =	rddreg [dreg:$0x2]  }
0x1a: {  	[tilespmem:s21], [sflag:$0x4] =	stream.linear.gather [hbm4b:s0+s7], $0x278, $0x38;
	[tilespmem:$0x5B68] =	vst v63  }
0x1b: {  	_ =	swait.ge [sflag:s19], $0x278  }
0x1c: {  	[sflag:s19] =	ssyncset.done $0x0  }
0x1d: {  	[sflag:s19] =	ssyncadd.s32 $0xFFFFFD88  }
0x1e: {  	[spmem:s12] =	stream.linear.scatter [tilespmem:s21], [sflag:$0x4], $0x278, $0x38;
	[tilespmem:$0x5B68] =	vst v63  }
0x1f: {  	_ =	swait.ge [sflag:s19], $0x278  }
0x20: {  	[sflag:s19] =	ssyncset.done $0x0  }
0x21: {  	[sflag:s19] =	ssyncadd.s32 $0xFFFFFD88  }
0x22: {  	[spmem:s13] =	stream.linear.scatter [tilespmem:s21], [sflag:$0x4], $0x278, $0x38;
	[tilespmem:$0x5B68] =	vst v63  }
0x23: {  	_ =	swait.ge [sflag:s19], $0x278  }
0x24: {  	[sflag:s19] =	ssyncset.done $0x0  }
0x25: {  	[sflag:s19] =	ssyncadd.s32 $0xFFFFFD88  }
0x26: {  	[spmem:s14] =	stream.linear.scatter [tilespmem:s21], [sflag:$0x4], $0x278, $0x38;
	[tilespmem:$0x5B68] =	vst v63  }
0x27: {  	_ =	swait.ge [sflag:s19], $0x278  }
0x28: {  	[sflag:s19] =	ssyncset.done $0x0  }
0x29: {  	[sflag:s19] =	ssyncadd.s32 $0xFFFFFD88  }
0x2a: {  	s3 =	simm.s32 $0x0;
	[bflag:$0x0] =	sbarrier.arrive $0xFFFF  }
0x2b: {  	[tilespmem:s23], [sflag:$0x1] =	stream.indirect.gather [hbm4b:s8+s22], $0x1, s3, s22, $0xb8;
	[tilespmem:$0x5B68] =	vst v63  }
0x2c: {  	_ = 	snop  }
0x2d: {  	[tilespmem:s24], [sflag:$0x2] =	stream.indirect.gather [hbm4b:s9+s22], $0x1, s3, s22, $0xb8;
	[tilespmem:$0x5B68] =	vst v63  }
0x2e: {  	_ = 	snop  }
0x2f: {  	[tilespmem:s25], [sflag:$0x3] =	stream.indirect.gather [hbm4b:s1+s22], $0x1, s3, s22, $0xb8;
	[tilespmem:$0x5B68] =	vst v63  }
0x30: {  	_ =	swait.ge [sflag:s26], $0x80  }
0x31: {  	[sflag:s26] =	ssyncset.done $0x0  }
0x32: {  	[sflag:s26] =	ssyncadd.s32 $0xFFFFFF80  }
0x33: {  	_ =	swait.ge [sflag:s28], $0x80  }
0x34: {  	[sflag:s28] =	ssyncset.done $0x0  }
0x35: {  	[sflag:s28] =	ssyncadd.s32 $0xFFFFFF80  }
0x36: {  	_ =	swait.ge [sflag:s29], $0x80  }
0x37: {  	[sflag:s29] =	ssyncset.done $0x0  }
0x38: {  	s2 =	simm.s32 $0x2800;
	[sflag:s29] =	ssyncadd.s32 $0xFFFFFF80  }
0x39: {  	[spmem:s4] =	stream.indirect.scatter.add.f32 [tilespmem:s23], [sflag:$0x4], $0x1, s2, s22, $0xb8;
	[tilespmem:$0x5B68] =	vst v63  }
0x3a: {  	_ =	swait.ge [sflag:s19], $0x80  }
0x3b: {  	[sflag:s19] =	ssyncset.done $0x0  }
0x3c: {  	[sflag:s19] =	ssyncadd.s32 $0xFFFFFF80  }
0x3d: {  	[spmem:s5] =	stream.indirect.scatter.add.f32 [tilespmem:s24], [sflag:$0x4], $0x1, s2, s22, $0xb8;
	[tilespmem:$0x5B68] =	vst v63  }
0x3e: {  	_ =	swait.ge [sflag:s19], $0x80  }
0x3f: {  	[sflag:s19] =	ssyncset.done $0x0  }
0x40: {  	[sflag:s19] =	ssyncadd.s32 $0xFFFFFF80  }
0x41: {  	[spmem:s6] =	stream.indirect.scatter.add.f32 [tilespmem:s25], [sflag:$0x4], $0x1, s2, s22, $0xb8;
	[tilespmem:$0x5B68] =	vst v63  }
0x42: {  	_ =	swait.ge [sflag:s19], $0x80  }
0x43: {  	s31 =	simm.s32 $0x200;
	s3 =	simm.s32 $0x400;
	[sflag:s19] =	ssyncset.done $0x0  }
.LBB2_2:
0x44: {  	s0 =	sshra.s32 s31, $0x2  }
0x45: {  	[sflag:s19] =	ssyncadd.s32 $0xFFFFFF80;
	s31 =	smov.u32 s3;
	s2 =	sadd.s32 $0x200, s3  }
0x46: {  	[tilespmem:s23], [sflag:$0x1] =	stream.indirect.gather [hbm4b:s8+s22], $0x1, s0, s22, $0xb8;
	[tilespmem:$0x5B68] =	vst v63  }
0x47: {  	p0 =	sne.s32 s3, $0x9C00  }
0x48: {  	[tilespmem:s24], [sflag:$0x2] =	stream.indirect.gather [hbm4b:s9+s22], $0x1, s0, s22, $0xb8;
	[tilespmem:$0x5B68] =	vst v63  }
0x49: {  	_ = 	snop  }
0x4a: {  	[tilespmem:s25], [sflag:$0x3] =	stream.indirect.gather [hbm4b:s1+s22], $0x1, s0, s22, $0xb8;
	[tilespmem:$0x5B68] =	vst v63  }
0x4b: {  	_ =	swait.ge [sflag:s26], $0x80  }
0x4c: {  	[sflag:s26] =	ssyncset.done $0x0  }
0x4d: {  	[sflag:s26] =	ssyncadd.s32 $0xFFFFFF80  }
0x4e: {  	_ =	swait.ge [sflag:s28], $0x80  }
0x4f: {  	[sflag:s28] =	ssyncset.done $0x0  }
0x50: {  	[sflag:s28] =	ssyncadd.s32 $0xFFFFFF80  }
0x51: {  	_ =	swait.ge [sflag:s29], $0x80  }
0x52: {  	[sflag:s29] =	ssyncset.done $0x0  }
0x53: {  	s0 =	sadd.s32 $0x2800, s0;
	[sflag:s29] =	ssyncadd.s32 $0xFFFFFF80  }
0x54: {  	[spmem:s4] =	stream.indirect.scatter.add.f32 [tilespmem:s23], [sflag:$0x4], $0x1, s0, s22, $0xb8;
	[tilespmem:$0x5B68] =	vst v63  }
0x55: {  	_ =	swait.ge [sflag:s19], $0x80  }
0x56: {  	[sflag:s19] =	ssyncset.done $0x0  }
0x57: {  	[sflag:s19] =	ssyncadd.s32 $0xFFFFFF80  }
0x58: {  	[spmem:s5] =	stream.indirect.scatter.add.f32 [tilespmem:s24], [sflag:$0x4], $0x1, s0, s22, $0xb8;
	[tilespmem:$0x5B68] =	vst v63  }
0x59: {  	_ =	swait.ge [sflag:s19], $0x80  }
.Ltmp0:
0x5a: {  	[sflag:s19] =	ssyncset.done $0x0;
	(pc) =	sbr.rel @p0 .LBB2_2-.Ltmp0, $4  }
0x5b: {  	[sflag:s19] =	ssyncadd.s32 $0xFFFFFF80  }
0x5c: {  	[spmem:s6] =	stream.indirect.scatter.add.f32 [tilespmem:s25], [sflag:$0x4], $0x1, s0, s22, $0xb8;
	[tilespmem:$0x5B68] =	vst v63  }
0x5d: {  	_ =	swait.ge [sflag:s19], $0x80  }
0x5e: {  	s3 =	smov.u32 s2;
	[sflag:s19] =	ssyncset.done $0x0  }
0x5f: {  	s0 =	sshra.s32 s31, $0x2;
	[sflag:s19] =	ssyncadd.s32 $0xFFFFFF80  }
0x60: {  	[tilespmem:s23], [sflag:$0x1] =	stream.indirect.gather [hbm4b:s8+s22], $0x1, s0, s22, $0xb8;
	[tilespmem:$0x5B68] =	vst v63  }
0x61: {  	_ = 	snop  }
0x62: {  	[tilespmem:s24], [sflag:$0x2] =	stream.indirect.gather [hbm4b:s9+s22], $0x1, s0, s22, $0xb8;
	[tilespmem:$0x5B68] =	vst v63  }
0x63: {  	_ = 	snop  }
0x64: {  	[tilespmem:s25], [sflag:$0x3] =	stream.indirect.gather [hbm4b:s1+s22], $0x1, s0, s22, $0xb8;
	[tilespmem:$0x5B68] =	vst v63  }
0x65: {  	_ =	swait.ge [sflag:s26], $0x80  }
0x66: {  	[sflag:s26] =	ssyncset.done $0x0  }
0x67: {  	[sflag:s26] =	ssyncadd.s32 $0xFFFFFF80  }
0x68: {  	_ =	swait.ge [sflag:s28], $0x80  }
0x69: {  	[sflag:s28] =	ssyncset.done $0x0  }
0x6a: {  	[sflag:s28] =	ssyncadd.s32 $0xFFFFFF80  }
0x6b: {  	_ =	swait.ge [sflag:s29], $0x80  }
0x6c: {  	[sflag:s29] =	ssyncset.done $0x0  }
0x6d: {  	s0 =	sadd.s32 $0x2800, s0;
	[sflag:s29] =	ssyncadd.s32 $0xFFFFFF80  }
0x6e: {  	[spmem:s4] =	stream.indirect.scatter.add.f32 [tilespmem:s23], [sflag:$0x4], $0x1, s0, s22, $0xb8;
	[tilespmem:$0x5B68] =	vst v63  }
0x6f: {  	_ =	swait.ge [sflag:s19], $0x80  }
0x70: {  	[sflag:s19] =	ssyncset.done $0x0  }
0x71: {  	[sflag:s19] =	ssyncadd.s32 $0xFFFFFF80  }
0x72: {  	[spmem:s5] =	stream.indirect.scatter.add.f32 [tilespmem:s24], [sflag:$0x4], $0x1, s0, s22, $0xb8;
	[tilespmem:$0x5B68] =	vst v63  }
0x73: {  	_ =	swait.ge [sflag:s19], $0x80  }
0x74: {  	[sflag:s19] =	ssyncset.done $0x0  }
0x75: {  	[sflag:s19] =	ssyncadd.s32 $0xFFFFFF80  }
0x76: {  	[spmem:s6] =	stream.indirect.scatter.add.f32 [tilespmem:s25], [sflag:$0x4], $0x1, s0, s22, $0xb8;
	[tilespmem:$0x5B68] =	vst v63  }
0x77: {  	_ =	swait.ge [sflag:s19], $0x80  }
0x78: {  	[sflag:s19] =	ssyncset.done $0x0  }
0x79: {  	[sflag:s19] =	ssyncadd.s32 $0xFFFFFF80  }
0x7a: {  	[bflag:$0x0] =	sbarrier.arrive $0xFFFF  }
0x7b: {  	[tilespmem:s21], [sflag:$0x4] =	stream.linear.gather [spmem:s12], $0x278, $0x38;
	[tilespmem:$0x5B68] =	vst v63  }
0x7c: {  	_ =	swait.ge [sflag:s19], $0x278  }
0x7d: {  	[sflag:s19] =	ssyncset.done $0x0  }
0x7e: {  	[sflag:s19] =	ssyncadd.s32 $0xFFFFFD88  }
0x7f: {  	[hbm4b:s15+s7] =	stream.linear.scatter [tilespmem:s21], [sflag:$0x4], $0x278, $0x38;
	[tilespmem:$0x5B68] =	vst v63  }
0x80: {  	_ =	swait.ge [sflag:s19], $0x278  }
0x81: {  	[sflag:s19] =	ssyncset.done $0x0  }
0x82: {  	[sflag:s19] =	ssyncadd.s32 $0xFFFFFD88  }
0x83: {  	[tilespmem:s21], [sflag:$0x4] =	stream.linear.gather [spmem:s13], $0x278, $0x38;
	[tilespmem:$0x5B68] =	vst v63  }
0x84: {  	_ =	swait.ge [sflag:s19], $0x278  }
0x85: {  	[sflag:s19] =	ssyncset.done $0x0  }
0x86: {  	[sflag:s19] =	ssyncadd.s32 $0xFFFFFD88  }
0x87: {  	[hbm4b:s16+s7] =	stream.linear.scatter [tilespmem:s21], [sflag:$0x4], $0x278, $0x38;
	[tilespmem:$0x5B68] =	vst v63  }
0x88: {  	_ =	swait.ge [sflag:s19], $0x278  }
0x89: {  	[sflag:s19] =	ssyncset.done $0x0  }
0x8a: {  	[sflag:s19] =	ssyncadd.s32 $0xFFFFFD88  }
0x8b: {  	[tilespmem:s21], [sflag:$0x4] =	stream.linear.gather [spmem:s14], $0x278, $0x38;
	[tilespmem:$0x5B68] =	vst v63  }
0x8c: {  	s30 =	sadd.s32 $0x1, s30;
	_ =	swait.ge [sflag:s19], $0x278  }
0x8d: {  	p0 =	sne.s32 s30, s18;
	[sflag:s19] =	ssyncset.done $0x0  }
.Ltmp1:
0x8e: {  	[sflag:s19] =	ssyncadd.s32 $0xFFFFFD88;
	(pc) =	sbr.rel @p0 .LBB2_1-.Ltmp1, $4  }
0x8f: {  	[hbm4b:s17+s7] =	stream.linear.scatter [tilespmem:s21], [sflag:$0x4], $0x278, $0x38;
	[tilespmem:$0x5B68] =	vst v63  }
0x90: {  	_ =	swait.ge [sflag:s19], $0x278  }
0x91: {  	[sflag:s19] =	ssyncset.done $0x0  }
0x92: {  	[sflag:s19] =	ssyncadd.s32 $0xFFFFFD88  }
0x93: {  	_ =	sfence.sel $0x180000  }
0x94: {  	[bflag:$0x0] =	sbarrier.arrive $0xFFFF  }
0x95: {  	_ =	strace $0x9000004A  }
0x96: {  	s0 =	stileid.u32;
	[bflag:$0x2] =	sbarrier.arrive $0xFFFF  }
0x97: {  	p0 =	sne.s32 s0, $0x0;
	s0 =	rddreg [dreg:$0x6]  }
0x98: {  	s0 =	sadd.s32 @!p0 $0x100000, s0  }
0x99: {  	[sflag:s0] =	ssyncadd.tile.s32 @!p0 $0x1;
	_ =	shalt  }
.Lfunc_end2:
_tile_overlayer_lowered:
.L_overlay_start_2:
0x9a: {  	(tag) =	ssettag $0x2  }
0x9b: {  	s0 =	rddreg [dreg:$0x0];
	s2 =	stileid.u32  }
0x9c: {  	s1 =	rddreg [dreg:$0x1];
	p0 =	sne.s32 s2, $0x0  }
0x9d: {  	s3 =	rddreg [dreg:$0x2];
	[bflag:$0x3] =	sbarrier.arrive $0xFFFF;
	s2 =	simm.s32 @!p0 $0x1C04  }
0x9e: {  	[timem:s3], [sflag:s2] =	dma.local @!p0 [hbm:s0], s1  }
0x9f: {  	s0 =	simm.s32 @!p0 $0x4  }
0xa0: {  	_ =	swait.ge @!p0 [sflag:s0], s1  }
0xa1: {  	s1 =	ssub.s32 @!p0 $0x0, s1;
	[sflag:s0] =	ssyncset.done @!p0 $0x0  }
0xa2: {  	[sflag:s0] =	ssyncadd.s32 @!p0 s1  }
0xa3: {  	[bflag:$0x3] =	sbarrier.arrive $0xFFFF  }
0xa4: {  	_ =	shalt  }

</sc_bundles>
